<compile_context>
chip_gen: v7x
topology: tpu7x:2x2x1
jax: 0.10.2.dev20260603
libtpu: 0.0.44.dev20260713+nightly
codegen_flags: <defaults>
</compile_context>

<pallas_src>
import functools

import jax
import jax.numpy as jnp
from jax import lax
from jax.experimental import pallas as pl
from jax.experimental.pallas import tpu as pltpu
from jax.experimental.pallas import tpu_sc as plsc

EPSN = 1e-9

_N = 10000
_D = 128
_E = 320000
_NP = 10240
_CHUNK = 128
_NCHUNKS = 2528
_EP = _NCHUNKS * _CHUNK
_H = _D // 2
_ROWS_PER_TILE = _NP // 16
_CHUNKS_C0 = 123
_CHUNKS_C1 = 35


def _sc_mesh():
    return plsc.VectorSubcoreMesh(core_axis_name="c", subcore_axis_name="s")


_HCHUNK = 2000


def _tc_degree_body(src_ref, deg_ref):
    i = pl.program_id(0)

    @pl.when(i == 0)
    def _():
        deg_ref[...] = jnp.zeros_like(deg_ref)

    s = src_ref[0, 0, :]
    hi = jax.lax.shift_right_logical(s, 7)
    lo = jax.lax.bitwise_and(s, 127)
    r = lax.broadcasted_iota(jnp.int32, (_D, _HCHUNK), 0)
    oh_hi_t = (r == hi[None, :]).astype(jnp.bfloat16)
    c = lax.broadcasted_iota(jnp.int32, (_HCHUNK, _D), 1)
    oh_lo = (c == lo[:, None]).astype(jnp.bfloat16)
    deg_ref[...] += jnp.dot(oh_hi_t, oh_lo, preferred_element_type=jnp.float32)


def _tc_degree(src):
    grid = (_E // _HCHUNK,)
    return pl.pallas_call(
        _tc_degree_body,
        grid=grid,
        in_specs=[pl.BlockSpec((1, 1, _HCHUNK), lambda i: (i, 0, 0))],
        out_specs=pl.BlockSpec((_D, _D), lambda i: (0, 0)),
        out_shape=jax.ShapeDtypeStruct((_D, _D), jnp.float32),
    )(src.reshape(_E // _HCHUNK, 1, _HCHUNK))


@functools.cache
def _sc_segsum_kernel():
    return functools.partial(
        pl.kernel,
        mesh=_sc_mesh(),
        out_type=jax.ShapeDtypeStruct((2 * _NP, _D), jnp.float32),
        scratch_types=[
            pltpu.VMEM((_CHUNK,), jnp.int32),
            pltpu.VMEM((_CHUNK,), jnp.int32),
            pltpu.VMEM((_CHUNK,), jnp.int32),
            pltpu.VMEM((_CHUNK,), jnp.int32),
            pltpu.VMEM((_CHUNK, _D), jnp.float32),
            pltpu.VMEM((_CHUNK, _D), jnp.float32),
            pltpu.VMEM_SHARED((_NP, _D), jnp.float32),
            pltpu.SemaphoreType.DMA,
            pltpu.SemaphoreType.DMA,
            pltpu.SemaphoreType.DMA,
            pltpu.SemaphoreType.DMA,
            pltpu.SemaphoreType.DMA,
            pltpu.SemaphoreType.DMA,
        ],
    )(_sc_segsum_body)


def _sc_segsum_body(src_hbm, dst_hbm, y_hbm, zeros_hbm, out_hbm,
                    srci0, srci1, dsti0, dsti1, rows0, rows1, acc_sp,
                    semg0, semg1, semd0, semd1, sems0, sems1):
    c = lax.axis_index("c")
    s = lax.axis_index("s")
    n = jnp.where(c == 0, _CHUNKS_C0, _CHUNKS_C1)
    base = jnp.where(c == 0, s * _CHUNKS_C0, 16 * _CHUNKS_C0 + s * _CHUNKS_C1)

    stripe = pl.ds(s * _ROWS_PER_TILE, _ROWS_PER_TILE)
    pltpu.sync_copy(zeros_hbm.at[stripe], acc_sp.at[stripe])
    plsc.subcore_barrier()

    rows = (rows0, rows1)
    dsti = (dsti0, dsti1)
    srci = (srci0, srci1)
    semg = (semg0, semg1)
    semd = (semd0, semd1)
    sems = (sems0, sems1)

    def idx_load(j, b):
        off = (base + jnp.minimum(j, n - 1)) * _CHUNK
        pltpu.async_copy(dst_hbm.at[pl.ds(off, _CHUNK)], dsti[b], semd[b])
        pltpu.async_copy(src_hbm.at[pl.ds(off, _CHUNK)], srci[b], sems[b])

    def start_gather(b):
        pltpu.make_async_copy(dst_hbm.at[pl.ds(0, _CHUNK)], dsti[b],
                              semd[b]).wait()
        pltpu.async_copy(y_hbm.at[dsti[b]], rows[b], semg[b])

    def finish_chunk(j, b, prefetch=True):
        pltpu.make_async_copy(y_hbm.at[dsti[b]], rows[b], semg[b]).wait()
        pltpu.make_async_copy(src_hbm.at[pl.ds(0, _CHUNK)], srci[b],
                              sems[b]).wait()
        pltpu.sync_copy(rows[b], acc_sp.at[srci[b]], add=True)
        if prefetch:
            idx_load(j + 2, b)

    idx_load(0, 0)
    idx_load(1, 1)
    start_gather(0)

    def body(g, carry):
        start_gather(1)
        finish_chunk(g * 2, 0)
        start_gather(0)
        finish_chunk(g * 2 + 1, 1)
        return carry

    lax.fori_loop(0, (n - 1) // 2, body, 0)
    finish_chunk(n - 1, 0, prefetch=False)
    pltpu.make_async_copy(dst_hbm.at[pl.ds(0, _CHUNK)], dsti[1], semd[1]).wait()
    pltpu.make_async_copy(src_hbm.at[pl.ds(0, _CHUNK)], srci[1], sems[1]).wait()
    plsc.subcore_barrier()

    pltpu.sync_copy(acc_sp.at[stripe],
                    out_hbm.at[pl.ds(c * _NP + s * _ROWS_PER_TILE, _ROWS_PER_TILE)])


def _tc_scale_body(x_ref, deg_ref, y_ref):
    deg = deg_ref[...]
    dis = jnp.where(deg > 0, lax.rsqrt(deg), 0.0)
    y_ref[...] = x_ref[...] * dis


def _tc_scale(x_pad, deg_col):
    return pl.pallas_call(
        _tc_scale_body,
        out_shape=jax.ShapeDtypeStruct((_NP, _D), jnp.float32),
    )(x_pad, deg_col)


def _acosh(t):
    return jnp.log(t + jnp.sqrt((t - 1.0) * (t + 1.0)))


def _tc_dense_body(eps_ref, x_ref, sa_ref, sb_ref, w1_ref, b1_ref, w2_ref, b2_ref,
                   o_ref):
    R = x_ref.shape[0]
    col = lax.broadcasted_iota(jnp.int32, (R, _D), 1)
    m = jnp.where(col > 0, 1.0, 0.0)
    e0 = jnp.where(col == 0, 1.0, 0.0)

    def logmap0_s(z):
        zs = z * m
        xn = jnp.sqrt(jnp.clip(jnp.sum(zs * zs, axis=-1, keepdims=True), EPSN, None))
        t = jnp.clip(z[:, :1], 1.0 + 1e-7, None)
        return (_acosh(t) / xn) * zs

    def sinh_cosh(n):
        en = jnp.exp(n)
        inv = 1.0 / en
        return 0.5 * (en - inv), 0.5 * (en + inv)

    def exp_proj(v):
        n = jnp.sqrt(jnp.clip(jnp.sum(v * v, axis=-1, keepdims=True), EPSN, None))
        sh, _ = sinh_cosh(n)
        q = (sh / n) * v
        t = jnp.sqrt(1.0 + jnp.sum(q * q, axis=-1, keepdims=True))
        return q + e0 * t

    eps = eps_ref[0, 0]
    x = x_ref[...]
    S = sa_ref[...] + sb_ref[...]

    sumsq = jnp.sum(S * S, axis=-1, keepdims=True)
    inner = sumsq - 2.0 * (S[:, :1] * S[:, :1])
    denom = jnp.sqrt(jnp.clip(-inner, EPSN, None))
    h = S / denom

    v = (1.0 + eps) * logmap0_s(x) + logmap0_s(h)
    z = exp_proj(v)

    def layer(z, w_ref, b_ref):
        u = logmap0_s(z)
        o = jnp.dot(u, w_ref[...], preferred_element_type=jnp.float32) + b_ref[...]
        z1 = exp_proj(o)
        ua = jnp.tanh(logmap0_s(z1))
        n = jnp.sqrt(jnp.clip(jnp.sum(ua * ua, axis=-1, keepdims=True), EPSN, None))
        sh, ch = sinh_cosh(n)
        return (sh / n) * ua + e0 * ch

    z = layer(z, w1_ref, b1_ref)
    z = layer(z, w2_ref, b2_ref)
    o_ref[...] = z


def _tc_dense(x, Sa, Sb, eps, Wt1, bt1, Wt2, bt2):
    R = 1000
    grid = (_N // R,)
    row_spec = pl.BlockSpec((R, _D), lambda i: (i, 0))
    full_spec = pl.BlockSpec((_D, _D), lambda i: (0, 0))
    bias_spec = pl.BlockSpec((1, _D), lambda i: (0, 0))
    return pl.pallas_call(
        _tc_dense_body,
        grid=grid,
        in_specs=[
            pl.BlockSpec(memory_space=pltpu.SMEM),
            row_spec, row_spec, row_spec, full_spec, bias_spec, full_spec, bias_spec,
        ],
        out_specs=row_spec,
        out_shape=jax.ShapeDtypeStruct((_N, _D), jnp.float32),
    )(eps, x, Sa, Sb, Wt1, bt1, Wt2, bt2)


def kernel(x, edge_index, eps, W1, b1, W2, b2):
    src = edge_index[0]
    dst = edge_index[1]
    pad = jnp.full((_EP - _E,), _N, dtype=jnp.int32)
    src_p = jnp.concatenate([src, pad])
    dst_p = jnp.concatenate([dst, pad])
    x_pad = jnp.concatenate([x, jnp.zeros((_NP - _N, _D), x.dtype)], axis=0)

    zeros_acc = jnp.zeros((_NP, _D), jnp.float32)

    deg2d = _tc_degree(src)
    deg_col = deg2d.reshape(-1, 1)[:_NP]
    y = _tc_scale(x_pad, deg_col)
    s2 = _sc_segsum_kernel()(src_p, dst_p, y, zeros_acc)
    Sa = s2[:_N]
    Sb = s2[_NP:_NP + _N]

    Wt1 = jnp.zeros((_D, _D), jnp.float32).at[1:, 1:].set(W1.T)
    Wt2 = jnp.zeros((_D, _D), jnp.float32).at[1:, 1:].set(W2.T)
    bt1 = jnp.concatenate([jnp.zeros((1,), jnp.float32), b1]).reshape(1, _D)
    bt2 = jnp.concatenate([jnp.zeros((1,), jnp.float32), b2]).reshape(1, _D)
    eps_arr = jnp.asarray(eps, jnp.float32).reshape(1, 1)

    return _tc_dense(x, Sa, Sb, eps_arr, Wt1, bt1, Wt2, bt2)

# --- scband reference (transcript-rebuilt; emitter-appended) ---
"""Pipeline reference for scband-hyperbolic-ginlayer-57638461112980 (READ-ONLY COPY).

The authoritative reference and input builder live on the scoring server;
editing this copy changes nothing except your own understanding.
"""

import jax, jax.numpy as jnp
import numpy as np

C = 1.0
EPSN = 1e-9

def l_inner(x, y):
    return -x[..., :1] * y[..., :1] + jnp.sum(x[..., 1:] * y[..., 1:], axis=-1, keepdims=True)

def expmap0(v, c):
    sqrt_c = jnp.sqrt(c)
    vs = v[..., 1:]
    n = jnp.sqrt(jnp.clip(jnp.sum(vs * vs, axis=-1, keepdims=True), EPSN, None))
    t = jnp.cosh(sqrt_c * n) / sqrt_c
    s = jnp.sinh(sqrt_c * n) * vs / (sqrt_c * n)
    return jnp.concatenate([t, s], axis=-1)

def logmap0(x, c):
    sqrt_c = jnp.sqrt(c)
    xs = x[..., 1:]
    xn = jnp.sqrt(jnp.clip(jnp.sum(xs * xs, axis=-1, keepdims=True), EPSN, None))
    t = jnp.clip(sqrt_c * x[..., :1], 1.0 + 1e-7, None)
    d = jnp.arccosh(t) / sqrt_c
    vs = d * xs / xn
    return jnp.concatenate([jnp.zeros_like(x[..., :1]), vs], axis=-1)

def proj(x, c):
    xs = x[..., 1:]
    t = jnp.sqrt(1.0 / c + jnp.sum(xs * xs, axis=-1, keepdims=True))
    return jnp.concatenate([t, xs], axis=-1)

def centroid_normalize(agg, c):
    inner = l_inner(agg, agg)
    denom = jnp.sqrt(c) * jnp.sqrt(jnp.clip(-inner, EPSN, None))
    return agg / denom

def hyp_linear(x, W, b, c):
    v = logmap0(x, c)
    out_space = v[..., 1:] @ W.T + b
    out = jnp.concatenate([v[..., :1], out_space], axis=-1)
    return proj(expmap0(out, c), c)

def hyp_act(x, c):
    v = logmap0(x, c)
    vs = jnp.tanh(v[..., 1:])
    v2 = jnp.concatenate([jnp.zeros_like(v[..., :1]), vs], axis=-1)
    return expmap0(v2, c)

def setup_inputs(seed: int = 0):
    key = jax.random.key(seed)
    N, D, E = 10000, 128, 320000
    ks = jax.random.split(key, 6)
    vs = 0.1 * jax.random.normal(ks[0], (N, D - 1), dtype=jnp.float32)
    v = jnp.concatenate([jnp.zeros((N, 1), dtype=jnp.float32), vs], axis=-1)
    x = expmap0(v, C)
    edge_index = jax.random.randint(ks[1], (2, E), 0, N, dtype=jnp.int32)
    scale = float(np.sqrt(2.0 / (127 + 127)))
    W1 = scale * jax.random.normal(ks[2], (D - 1, D - 1), dtype=jnp.float32)
    b1 = jnp.zeros((D - 1,), dtype=jnp.float32)
    W2 = scale * jax.random.normal(ks[3], (D - 1, D - 1), dtype=jnp.float32)
    b2 = jnp.zeros((D - 1,), dtype=jnp.float32)
    eps = jnp.asarray(0.1, dtype=jnp.float32)
    return {"x": x, "edge_index": edge_index, "eps": eps, "W1": W1, "b1": b1, "W2": W2, "b2": b2}

def reference(x, edge_index, eps, W1, b1, W2, b2):
    N = x.shape[0]
    src = edge_index[0]
    dst = edge_index[1]
    # _normalize_adj: D^{-1/2} A D^{-1/2} on sparse COO adjacency
    deg = jax.ops.segment_sum(jnp.ones(src.shape, dtype=jnp.float32), src, num_segments=N)
    d_inv_sqrt = jnp.where(deg > 0, deg ** -0.5, 0.0)
    w = d_inv_sqrt[src] * d_inv_sqrt[dst]
    # manifold.centroid(weights, x): weighted Lorentz sum then renormalize onto hyperboloid
    msg = w[:, None] * x[dst]
    agg = jax.ops.segment_sum(msg, src, num_segments=N)
    h = centroid_normalize(agg, C)
    # GIN combine in tangent space at origin: (1+eps)*log0(x) + log0(h)
    v = (1.0 + eps) * logmap0(x, C) + logmap0(h, C)
    z = proj(expmap0(v, C), C)
    # HyperbolicMLP: 2 x (HyperbolicLinear -> HyperbolicAct(tanh))
    z = hyp_act(hyp_linear(z, W1, b1, C), C)
    z = hyp_act(hyp_linear(z, W2, b2, C), C)
    return z

if __name__ == "__main__":
    import jax
    _d = setup_inputs()
    print(jax.jit(kernel)(*tuple(_d.values())))

</pallas_src>

<mosaic_0001>
#map = affine_map<(d0, d1) -> (0)>
#map1 = affine_map<(d0, d1) -> (0, 0)>
module attributes {stable_mosaic.version = 14 : i64} {
  func.func @_sc_segsum_body(%arg0: i32, %arg1: i32, %arg2: memref<323584xi32, #tpu.memory_space<hbm>>, %arg3: memref<323584xi32, #tpu.memory_space<hbm>>, %arg4: memref<10240x128xf32, #tpu.memory_space<hbm>>, %arg5: memref<10240x128xf32, #tpu.memory_space<hbm>>, %arg6: memref<20480x128xf32, #tpu.memory_space<hbm>>, %arg7: memref<128xi32, #tpu.memory_space<vmem>>, %arg8: memref<128xi32, #tpu.memory_space<vmem>>, %arg9: memref<128xi32, #tpu.memory_space<vmem>>, %arg10: memref<128xi32, #tpu.memory_space<vmem>>, %arg11: memref<128x128xf32, #tpu.memory_space<vmem>>, %arg12: memref<128x128xf32, #tpu.memory_space<vmem>>, %arg13: memref<10240x128xf32, #tpu.memory_space<vmem_shared>>, %arg14: memref<!tpu.dma_semaphore, #tpu.memory_space<semaphore_mem>>, %arg15: memref<!tpu.dma_semaphore, #tpu.memory_space<semaphore_mem>>, %arg16: memref<!tpu.dma_semaphore, #tpu.memory_space<semaphore_mem>>, %arg17: memref<!tpu.dma_semaphore, #tpu.memory_space<semaphore_mem>>, %arg18: memref<!tpu.dma_semaphore, #tpu.memory_space<semaphore_mem>>, %arg19: memref<!tpu.dma_semaphore, #tpu.memory_space<semaphore_mem>>) attributes {dimension_semantics = [#tpu.dimension_semantics<core_parallel>, #tpu.dimension_semantics<subcore_parallel>], iteration_bounds = array<i64: 2, 16>, scalar_prefetch = 0 : i64, scratch_operands = 13 : i64, tpu.core_type = #tpu.core_type<sc_vector_subcore>, window_params = [{transform_indices = #map}, {transform_indices = #map}, {transform_indices = #map1}, {transform_indices = #map1}, {transform_indices = #map1}]} {
    %eq3A = arith.constant 0 : i32
    %eq3A_0 = arith.cmpi eq, %arg0, %eq3A : i32
    %jit3A = arith.constant 123 : i32
    %jit3A_1 = arith.constant 35 : i32
    %select_n3A = arith.select %eq3A_0, %jit3A, %jit3A_1 : i32
    %eq3A_2 = arith.constant 0 : i32
    %eq3A_3 = arith.cmpi eq, %arg0, %eq3A_2 : i32
    %mul3A = arith.constant 123 : i32
    %mul3A_4 = arith.muli %arg1, %mul3A : i32
    %mul3A_5 = arith.constant 35 : i32
    %mul3A_6 = arith.muli %arg1, %mul3A_5 : i32
    %add3A = arith.constant 1968 : i32
    %add3A_7 = arith.addi %add3A, %mul3A_6 : i32
    %select_n3A_8 = arith.select %eq3A_3, %mul3A_4, %add3A_7 : i32
    %mul3A_9 = arith.constant 640 : i32
    %mul3A_10 = arith.muli %arg1, %mul3A_9 : i32
    "tpu.region"() ({
      %run_scoped3A = tpu.sem_alloc : memref<!tpu.dma_semaphore, #tpu.memory_space<semaphore_mem>>
      %dma_start3A_89 = arith.constant 0 : i32
      %dma_start3A_90 = tpu.memref_slice %arg13[%mul3A_10, %dma_start3A_89] : memref<10240x128xf32, #tpu.memory_space<vmem_shared>> -> memref<640x128xf32, #tpu.memory_space<vmem_shared>>
      %dma_start3A_91 = arith.constant 0 : i32
      %dma_start3A_92 = tpu.memref_slice %arg5[%mul3A_10, %dma_start3A_91] : memref<10240x128xf32, #tpu.memory_space<hbm>> -> memref<640x128xf32, #tpu.memory_space<hbm>>
      tpu.enqueue_dma source(%dma_start3A_92 : memref<640x128xf32, #tpu.memory_space<hbm>>) target(%dma_start3A_90 : memref<640x128xf32, #tpu.memory_space<vmem_shared>>) target_semaphore(%run_scoped3A : memref<!tpu.dma_semaphore, #tpu.memory_space<semaphore_mem>>)
      %dma_wait3A_93 = arith.constant 0 : i32
      %dma_wait3A_94 = tpu.memref_slice %arg13[%mul3A_10, %dma_wait3A_93] : memref<10240x128xf32, #tpu.memory_space<vmem_shared>> -> memref<640x128xf32, #tpu.memory_space<vmem_shared>>
      %dma_wait3A_95 = arith.constant 0 : i32
      %dma_wait3A_96 = tpu.memref_slice %arg5[%mul3A_10, %dma_wait3A_95] : memref<10240x128xf32, #tpu.memory_space<hbm>> -> memref<640x128xf32, #tpu.memory_space<hbm>>
      tpu.wait_dma2 semaphore(%run_scoped3A : memref<!tpu.dma_semaphore, #tpu.memory_space<semaphore_mem>>) src(%dma_wait3A_96 : memref<640x128xf32, #tpu.memory_space<hbm>>) dst(%dma_wait3A_94 : memref<640x128xf32, #tpu.memory_space<vmem_shared>>)
      tpu.yield
    }) : () -> ()
    %barrier3A = arith.constant 0 : index
    tpu.barrier barrier_id(%barrier3A)
    %sub3A = arith.constant 1 : i32
    %sub3A_11 = arith.subi %select_n3A, %sub3A : i32
    %min3A = arith.constant 0 : i32
    %min3A_12 = arith.minsi %min3A, %sub3A_11 : i32
    %add3A_13 = arith.addi %select_n3A_8, %min3A_12 : i32
    %mul3A_14 = arith.constant 128 : i32
    %mul3A_15 = arith.muli %add3A_13, %mul3A_14 : i32
    %dma_start3A = tpu.memref_slice %arg3[%mul3A_15] : memref<323584xi32, #tpu.memory_space<hbm>> -> memref<128xi32, #tpu.memory_space<hbm>>
    %dma_start3A_16 = tpu.memref_slice %arg3[%mul3A_15] : memref<323584xi32, #tpu.memory_space<hbm>> -> memref<128xi32, #tpu.memory_space<hbm>>
    tpu.enqueue_dma source(%dma_start3A_16 : memref<128xi32, #tpu.memory_space<hbm>>) target(%arg9 : memref<128xi32, #tpu.memory_space<vmem>>) target_semaphore(%arg16 : memref<!tpu.dma_semaphore, #tpu.memory_space<semaphore_mem>>)
    %dma_start3A_17 = tpu.memref_slice %arg2[%mul3A_15] : memref<323584xi32, #tpu.memory_space<hbm>> -> memref<128xi32, #tpu.memory_space<hbm>>
    %dma_start3A_18 = tpu.memref_slice %arg2[%mul3A_15] : memref<323584xi32, #tpu.memory_space<hbm>> -> memref<128xi32, #tpu.memory_space<hbm>>
    tpu.enqueue_dma source(%dma_start3A_18 : memref<128xi32, #tpu.memory_space<hbm>>) target(%arg7 : memref<128xi32, #tpu.memory_space<vmem>>) target_semaphore(%arg18 : memref<!tpu.dma_semaphore, #tpu.memory_space<semaphore_mem>>)
    %sub3A_19 = arith.constant 1 : i32
    %sub3A_20 = arith.subi %select_n3A, %sub3A_19 : i32
    %min3A_21 = arith.constant 1 : i32
    %min3A_22 = arith.minsi %min3A_21, %sub3A_20 : i32
    %add3A_23 = arith.addi %select_n3A_8, %min3A_22 : i32
    %mul3A_24 = arith.constant 128 : i32
    %mul3A_25 = arith.muli %add3A_23, %mul3A_24 : i32
    %dma_start3A_26 = tpu.memref_slice %arg3[%mul3A_25] : memref<323584xi32, #tpu.memory_space<hbm>> -> memref<128xi32, #tpu.memory_space<hbm>>
    %dma_start3A_27 = tpu.memref_slice %arg3[%mul3A_25] : memref<323584xi32, #tpu.memory_space<hbm>> -> memref<128xi32, #tpu.memory_space<hbm>>
    tpu.enqueue_dma source(%dma_start3A_27 : memref<128xi32, #tpu.memory_space<hbm>>) target(%arg10 : memref<128xi32, #tpu.memory_space<vmem>>) target_semaphore(%arg17 : memref<!tpu.dma_semaphore, #tpu.memory_space<semaphore_mem>>)
    %dma_start3A_28 = tpu.memref_slice %arg2[%mul3A_25] : memref<323584xi32, #tpu.memory_space<hbm>> -> memref<128xi32, #tpu.memory_space<hbm>>
    %dma_start3A_29 = tpu.memref_slice %arg2[%mul3A_25] : memref<323584xi32, #tpu.memory_space<hbm>> -> memref<128xi32, #tpu.memory_space<hbm>>
    tpu.enqueue_dma source(%dma_start3A_29 : memref<128xi32, #tpu.memory_space<hbm>>) target(%arg8 : memref<128xi32, #tpu.memory_space<vmem>>) target_semaphore(%arg19 : memref<!tpu.dma_semaphore, #tpu.memory_space<semaphore_mem>>)
    %dma_wait3A = arith.constant 0 : i32
    %dma_wait3A_30 = tpu.memref_slice %arg3[%dma_wait3A] : memref<323584xi32, #tpu.memory_space<hbm>> -> memref<128xi32, #tpu.memory_space<hbm>>
    %dma_wait3A_31 = arith.constant 0 : i32
    %dma_wait3A_32 = tpu.memref_slice %arg3[%dma_wait3A_31] : memref<323584xi32, #tpu.memory_space<hbm>> -> memref<128xi32, #tpu.memory_space<hbm>>
    tpu.wait_dma2 semaphore(%arg16 : memref<!tpu.dma_semaphore, #tpu.memory_space<semaphore_mem>>) src(%dma_wait3A_32 : memref<128xi32, #tpu.memory_space<hbm>>) dst(%arg9 : memref<128xi32, #tpu.memory_space<vmem>>)
    %dma_start3A_33 = arith.constant 0 : i32
    %dma_start3A_34 = arith.constant 0 : i32
    %dma_start3A_35 = tpu.memref_slice %arg4[%dma_start3A_33, %dma_start3A_34] : memref<10240x128xf32, #tpu.memory_space<hbm>> -> memref<10240x128xf32, #tpu.memory_space<hbm>>
    tpu.enqueue_indirect_dma source(%dma_start3A_35 : memref<10240x128xf32, #tpu.memory_space<hbm>>) target(%arg11 : memref<128x128xf32, #tpu.memory_space<vmem>>) offsets(%arg9 : memref<128xi32, #tpu.memory_space<vmem>>) semaphore(%arg14 : memref<!tpu.dma_semaphore, #tpu.memory_space<semaphore_mem>>)
    %sub3A_36 = arith.constant 1 : i32
    %sub3A_37 = arith.subi %select_n3A, %sub3A_36 : i32
    %jit3A_38 = arith.constant 2 : i32
    %div3A = arith.divsi %sub3A_37, %jit3A_38 : i32
    %sign3A = arith.constant 0 : i32
    %sign3A_39 = arith.cmpi sgt, %sub3A_37, %sign3A : i32
    %sign3A_40 = arith.extui %sign3A_39 : i1 to i32
    %sign3A_41 = arith.constant 0 : i32
    %sign3A_42 = arith.cmpi slt, %sub3A_37, %sign3A_41 : i32
    %sign3A_43 = arith.extui %sign3A_42 : i1 to i32
    %sign3A_44 = arith.subi %sign3A_40, %sign3A_43 : i32
    %sign3A_45 = arith.constant 0 : i32
    %sign3A_46 = arith.cmpi sgt, %jit3A_38, %sign3A_45 : i32
    %sign3A_47 = arith.extui %sign3A_46 : i1 to i32
    %sign3A_48 = arith.constant 0 : i32
    %sign3A_49 = arith.cmpi slt, %jit3A_38, %sign3A_48 : i32
    %sign3A_50 = arith.extui %sign3A_49 : i1 to i32
    %sign3A_51 = arith.subi %sign3A_47, %sign3A_50 : i32
    %ne3A = arith.cmpi ne, %sign3A_44, %sign3A_51 : i32
    %rem3A = arith.remsi %sub3A_37, %jit3A_38 : i32
    %ne3A_52 = arith.constant 0 : i32
    %ne3A_53 = arith.cmpi ne, %rem3A, %ne3A_52 : i32
    %and3A = arith.andi %ne3A, %ne3A_53 : i1
    %sub3A_54 = arith.constant 1 : i32
    %sub3A_55 = arith.subi %div3A, %sub3A_54 : i32
    %select_n3A_56 = arith.select %and3A, %sub3A_55, %div3A : i32
    %while3A = arith.constant 0 : i32
    %while3A_57 = arith.constant 0 : i32
    %while3A_58 = arith.subi %select_n3A_56, %while3A_57 : i32
    %while3A_59 = arith.addi %while3A_57, %while3A_58 : i32
    %while3A_60 = arith.constant 1 : i32
    %while3A_61 = arith.divsi %while3A_58, %while3A_60 : i32
    %while3A_62 = arith.muli %while3A_61, %while3A_60 : i32
    %while3A_63 = arith.addi %while3A_57, %while3A_62 : i32
    %while3A_64 = arith.constant 1 : i32
    scf.for %while3A_89 = %while3A_57 to %while3A_63 step %while3A_64  : i32 {
      %dma_wait3A_90 = arith.constant 0 : i32
      %dma_wait3A_91 = tpu.memref_slice %arg3[%dma_wait3A_90] : memref<323584xi32, #tpu.memory_space<hbm>> -> memref<128xi32, #tpu.memory_space<hbm>>
      %dma_wait3A_92 = arith.constant 0 : i32
      %dma_wait3A_93 = tpu.memref_slice %arg3[%dma_wait3A_92] : memref<323584xi32, #tpu.memory_space<hbm>> -> memref<128xi32, #tpu.memory_space<hbm>>
      tpu.wait_dma2 semaphore(%arg17 : memref<!tpu.dma_semaphore, #tpu.memory_space<semaphore_mem>>) src(%dma_wait3A_93 : memref<128xi32, #tpu.memory_space<hbm>>) dst(%arg10 : memref<128xi32, #tpu.memory_space<vmem>>)
      %dma_start3A_94 = arith.constant 0 : i32
      %dma_start3A_95 = arith.constant 0 : i32
      %dma_start3A_96 = tpu.memref_slice %arg4[%dma_start3A_94, %dma_start3A_95] : memref<10240x128xf32, #tpu.memory_space<hbm>> -> memref<10240x128xf32, #tpu.memory_space<hbm>>
      tpu.enqueue_indirect_dma source(%dma_start3A_96 : memref<10240x128xf32, #tpu.memory_space<hbm>>) target(%arg12 : memref<128x128xf32, #tpu.memory_space<vmem>>) offsets(%arg10 : memref<128xi32, #tpu.memory_space<vmem>>) semaphore(%arg15 : memref<!tpu.dma_semaphore, #tpu.memory_space<semaphore_mem>>)
      %mul3A_97 = arith.constant 2 : i32
      %mul3A_98 = arith.muli %while3A_89, %mul3A_97 : i32
      %dma_wait3A_99 = arith.constant 0 : i32
      %dma_wait3A_100 = arith.constant 0 : i32
      %dma_wait3A_101 = tpu.memref_slice %arg4[%dma_wait3A_99, %dma_wait3A_100] : memref<10240x128xf32, #tpu.memory_space<hbm>> -> memref<10240x128xf32, #tpu.memory_space<hbm>>
      tpu.wait_indirect_dma semaphore(%arg14 : memref<!tpu.dma_semaphore, #tpu.memory_space<semaphore_mem>>) src(%dma_wait3A_101 : memref<10240x128xf32, #tpu.memory_space<hbm>>) dst(%arg11 : memref<128x128xf32, #tpu.memory_space<vmem>>)
      %dma_wait3A_102 = arith.constant 0 : i32
      %dma_wait3A_103 = tpu.memref_slice %arg2[%dma_wait3A_102] : memref<323584xi32, #tpu.memory_space<hbm>> -> memref<128xi32, #tpu.memory_space<hbm>>
      %dma_wait3A_104 = arith.constant 0 : i32
      %dma_wait3A_105 = tpu.memref_slice %arg2[%dma_wait3A_104] : memref<323584xi32, #tpu.memory_space<hbm>> -> memref<128xi32, #tpu.memory_space<hbm>>
      tpu.wait_dma2 semaphore(%arg18 : memref<!tpu.dma_semaphore, #tpu.memory_space<semaphore_mem>>) src(%dma_wait3A_105 : memref<128xi32, #tpu.memory_space<hbm>>) dst(%arg7 : memref<128xi32, #tpu.memory_space<vmem>>)
      "tpu.region"() ({
        %run_scoped3A = tpu.sem_alloc : memref<!tpu.dma_semaphore, #tpu.memory_space<semaphore_mem>>
        %dma_start3A_148 = arith.constant 0 : i32
        %dma_start3A_149 = arith.constant 0 : i32
        %dma_start3A_150 = tpu.memref_slice %arg13[%dma_start3A_148, %dma_start3A_149] : memref<10240x128xf32, #tpu.memory_space<vmem_shared>> -> memref<10240x128xf32, #tpu.memory_space<vmem_shared>>
        tpu.enqueue_indirect_dma source(%arg11 : memref<128x128xf32, #tpu.memory_space<vmem>>) target(%dma_start3A_150 : memref<10240x128xf32, #tpu.memory_space<vmem_shared>>) offsets(%arg7 : memref<128xi32, #tpu.memory_space<vmem>>) semaphore(%run_scoped3A : memref<!tpu.dma_semaphore, #tpu.memory_space<semaphore_mem>>) {add = true}
        %dma_wait3A_151 = arith.constant 0 : i32
        %dma_wait3A_152 = arith.constant 0 : i32
        %dma_wait3A_153 = tpu.memref_slice %arg13[%dma_wait3A_151, %dma_wait3A_152] : memref<10240x128xf32, #tpu.memory_space<vmem_shared>> -> memref<10240x128xf32, #tpu.memory_space<vmem_shared>>
        tpu.wait_indirect_dma semaphore(%run_scoped3A : memref<!tpu.dma_semaphore, #tpu.memory_space<semaphore_mem>>) src(%arg11 : memref<128x128xf32, #tpu.memory_space<vmem>>) dst(%dma_wait3A_153 : memref<10240x128xf32, #tpu.memory_space<vmem_shared>>)
        tpu.yield
      }) : () -> ()
      %add3A_106 = arith.constant 2 : i32
      %add3A_107 = arith.addi %mul3A_98, %add3A_106 : i32
      %sub3A_108 = arith.constant 1 : i32
      %sub3A_109 = arith.subi %select_n3A, %sub3A_108 : i32
      %min3A_110 = arith.minsi %add3A_107, %sub3A_109 : i32
      %add3A_111 = arith.addi %select_n3A_8, %min3A_110 : i32
      %mul3A_112 = arith.constant 128 : i32
      %mul3A_113 = arith.muli %add3A_111, %mul3A_112 : i32
      %dma_start3A_114 = tpu.memref_slice %arg3[%mul3A_113] : memref<323584xi32, #tpu.memory_space<hbm>> -> memref<128xi32, #tpu.memory_space<hbm>>
      %dma_start3A_115 = tpu.memref_slice %arg3[%mul3A_113] : memref<323584xi32, #tpu.memory_space<hbm>> -> memref<128xi32, #tpu.memory_space<hbm>>
      tpu.enqueue_dma source(%dma_start3A_115 : memref<128xi32, #tpu.memory_space<hbm>>) target(%arg9 : memref<128xi32, #tpu.memory_space<vmem>>) target_semaphore(%arg16 : memref<!tpu.dma_semaphore, #tpu.memory_space<semaphore_mem>>)
      %dma_start3A_116 = tpu.memref_slice %arg2[%mul3A_113] : memref<323584xi32, #tpu.memory_space<hbm>> -> memref<128xi32, #tpu.memory_space<hbm>>
      %dma_start3A_117 = tpu.memref_slice %arg2[%mul3A_113] : memref<323584xi32, #tpu.memory_space<hbm>> -> memref<128xi32, #tpu.memory_space<hbm>>
      tpu.enqueue_dma source(%dma_start3A_117 : memref<128xi32, #tpu.memory_space<hbm>>) target(%arg7 : memref<128xi32, #tpu.memory_space<vmem>>) target_semaphore(%arg18 : memref<!tpu.dma_semaphore, #tpu.memory_space<semaphore_mem>>)
      %dma_wait3A_118 = arith.constant 0 : i32
      %dma_wait3A_119 = tpu.memref_slice %arg3[%dma_wait3A_118] : memref<323584xi32, #tpu.memory_space<hbm>> -> memref<128xi32, #tpu.memory_space<hbm>>
      %dma_wait3A_120 = arith.constant 0 : i32
      %dma_wait3A_121 = tpu.memref_slice %arg3[%dma_wait3A_120] : memref<323584xi32, #tpu.memory_space<hbm>> -> memref<128xi32, #tpu.memory_space<hbm>>
      tpu.wait_dma2 semaphore(%arg16 : memref<!tpu.dma_semaphore, #tpu.memory_space<semaphore_mem>>) src(%dma_wait3A_121 : memref<128xi32, #tpu.memory_space<hbm>>) dst(%arg9 : memref<128xi32, #tpu.memory_space<vmem>>)
      %dma_start3A_122 = arith.constant 0 : i32
      %dma_start3A_123 = arith.constant 0 : i32
      %dma_start3A_124 = tpu.memref_slice %arg4[%dma_start3A_122, %dma_start3A_123] : memref<10240x128xf32, #tpu.memory_space<hbm>> -> memref<10240x128xf32, #tpu.memory_space<hbm>>
      tpu.enqueue_indirect_dma source(%dma_start3A_124 : memref<10240x128xf32, #tpu.memory_space<hbm>>) target(%arg11 : memref<128x128xf32, #tpu.memory_space<vmem>>) offsets(%arg9 : memref<128xi32, #tpu.memory_space<vmem>>) semaphore(%arg14 : memref<!tpu.dma_semaphore, #tpu.memory_space<semaphore_mem>>)
      %mul3A_125 = arith.constant 2 : i32
      %mul3A_126 = arith.muli %while3A_89, %mul3A_125 : i32
      %add3A_127 = arith.constant 1 : i32
      %add3A_128 = arith.addi %mul3A_126, %add3A_127 : i32
      %dma_wait3A_129 = arith.constant 0 : i32
      %dma_wait3A_130 = arith.constant 0 : i32
      %dma_wait3A_131 = tpu.memref_slice %arg4[%dma_wait3A_129, %dma_wait3A_130] : memref<10240x128xf32, #tpu.memory_space<hbm>> -> memref<10240x128xf32, #tpu.memory_space<hbm>>
      tpu.wait_indirect_dma semaphore(%arg15 : memref<!tpu.dma_semaphore, #tpu.memory_space<semaphore_mem>>) src(%dma_wait3A_131 : memref<10240x128xf32, #tpu.memory_space<hbm>>) dst(%arg12 : memref<128x128xf32, #tpu.memory_space<vmem>>)
      %dma_wait3A_132 = arith.constant 0 : i32
      %dma_wait3A_133 = tpu.memref_slice %arg2[%dma_wait3A_132] : memref<323584xi32, #tpu.memory_space<hbm>> -> memref<128xi32, #tpu.memory_space<hbm>>
      %dma_wait3A_134 = arith.constant 0 : i32
      %dma_wait3A_135 = tpu.memref_slice %arg2[%dma_wait3A_134] : memref<323584xi32, #tpu.memory_space<hbm>> -> memref<128xi32, #tpu.memory_space<hbm>>
      tpu.wait_dma2 semaphore(%arg19 : memref<!tpu.dma_semaphore, #tpu.memory_space<semaphore_mem>>) src(%dma_wait3A_135 : memref<128xi32, #tpu.memory_space<hbm>>) dst(%arg8 : memref<128xi32, #tpu.memory_space<vmem>>)
      "tpu.region"() ({
        %run_scoped3A = tpu.sem_alloc : memref<!tpu.dma_semaphore, #tpu.memory_space<semaphore_mem>>
        %dma_start3A_148 = arith.constant 0 : i32
        %dma_start3A_149 = arith.constant 0 : i32
        %dma_start3A_150 = tpu.memref_slice %arg13[%dma_start3A_148, %dma_start3A_149] : memref<10240x128xf32, #tpu.memory_space<vmem_shared>> -> memref<10240x128xf32, #tpu.memory_space<vmem_shared>>
        tpu.enqueue_indirect_dma source(%arg12 : memref<128x128xf32, #tpu.memory_space<vmem>>) target(%dma_start3A_150 : memref<10240x128xf32, #tpu.memory_space<vmem_shared>>) offsets(%arg8 : memref<128xi32, #tpu.memory_space<vmem>>) semaphore(%run_scoped3A : memref<!tpu.dma_semaphore, #tpu.memory_space<semaphore_mem>>) {add = true}
        %dma_wait3A_151 = arith.constant 0 : i32
        %dma_wait3A_152 = arith.constant 0 : i32
        %dma_wait3A_153 = tpu.memref_slice %arg13[%dma_wait3A_151, %dma_wait3A_152] : memref<10240x128xf32, #tpu.memory_space<vmem_shared>> -> memref<10240x128xf32, #tpu.memory_space<vmem_shared>>
        tpu.wait_indirect_dma semaphore(%run_scoped3A : memref<!tpu.dma_semaphore, #tpu.memory_space<semaphore_mem>>) src(%arg12 : memref<128x128xf32, #tpu.memory_space<vmem>>) dst(%dma_wait3A_153 : memref<10240x128xf32, #tpu.memory_space<vmem_shared>>)
        tpu.yield
      }) : () -> ()
      %add3A_136 = arith.constant 2 : i32
      %add3A_137 = arith.addi %add3A_128, %add3A_136 : i32
      %sub3A_138 = arith.constant 1 : i32
      %sub3A_139 = arith.subi %select_n3A, %sub3A_138 : i32
      %min3A_140 = arith.minsi %add3A_137, %sub3A_139 : i32
      %add3A_141 = arith.addi %select_n3A_8, %min3A_140 : i32
      %mul3A_142 = arith.constant 128 : i32
      %mul3A_143 = arith.muli %add3A_141, %mul3A_142 : i32
      %dma_start3A_144 = tpu.memref_slice %arg3[%mul3A_143] : memref<323584xi32, #tpu.memory_space<hbm>> -> memref<128xi32, #tpu.memory_space<hbm>>
      %dma_start3A_145 = tpu.memref_slice %arg3[%mul3A_143] : memref<323584xi32, #tpu.memory_space<hbm>> -> memref<128xi32, #tpu.memory_space<hbm>>
      tpu.enqueue_dma source(%dma_start3A_145 : memref<128xi32, #tpu.memory_space<hbm>>) target(%arg10 : memref<128xi32, #tpu.memory_space<vmem>>) target_semaphore(%arg17 : memref<!tpu.dma_semaphore, #tpu.memory_space<semaphore_mem>>)
      %dma_start3A_146 = tpu.memref_slice %arg2[%mul3A_143] : memref<323584xi32, #tpu.memory_space<hbm>> -> memref<128xi32, #tpu.memory_space<hbm>>
      %dma_start3A_147 = tpu.memref_slice %arg2[%mul3A_143] : memref<323584xi32, #tpu.memory_space<hbm>> -> memref<128xi32, #tpu.memory_space<hbm>>
      tpu.enqueue_dma source(%dma_start3A_147 : memref<128xi32, #tpu.memory_space<hbm>>) target(%arg8 : memref<128xi32, #tpu.memory_space<vmem>>) target_semaphore(%arg19 : memref<!tpu.dma_semaphore, #tpu.memory_space<semaphore_mem>>)
    }
    %while3A_65 = arith.constant 1 : i32
    scf.for %while3A_89 = %while3A_63 to %while3A_59 step %while3A_65  : i32 {
      %dma_wait3A_90 = arith.constant 0 : i32
      %dma_wait3A_91 = tpu.memref_slice %arg3[%dma_wait3A_90] : memref<323584xi32, #tpu.memory_space<hbm>> -> memref<128xi32, #tpu.memory_space<hbm>>
      %dma_wait3A_92 = arith.constant 0 : i32
      %dma_wait3A_93 = tpu.memref_slice %arg3[%dma_wait3A_92] : memref<323584xi32, #tpu.memory_space<hbm>> -> memref<128xi32, #tpu.memory_space<hbm>>
      tpu.wait_dma2 semaphore(%arg17 : memref<!tpu.dma_semaphore, #tpu.memory_space<semaphore_mem>>) src(%dma_wait3A_93 : memref<128xi32, #tpu.memory_space<hbm>>) dst(%arg10 : memref<128xi32, #tpu.memory_space<vmem>>)
      %dma_start3A_94 = arith.constant 0 : i32
      %dma_start3A_95 = arith.constant 0 : i32
      %dma_start3A_96 = tpu.memref_slice %arg4[%dma_start3A_94, %dma_start3A_95] : memref<10240x128xf32, #tpu.memory_space<hbm>> -> memref<10240x128xf32, #tpu.memory_space<hbm>>
      tpu.enqueue_indirect_dma source(%dma_start3A_96 : memref<10240x128xf32, #tpu.memory_space<hbm>>) target(%arg12 : memref<128x128xf32, #tpu.memory_space<vmem>>) offsets(%arg10 : memref<128xi32, #tpu.memory_space<vmem>>) semaphore(%arg15 : memref<!tpu.dma_semaphore, #tpu.memory_space<semaphore_mem>>)
      %mul3A_97 = arith.constant 2 : i32
      %mul3A_98 = arith.muli %while3A_89, %mul3A_97 : i32
      %dma_wait3A_99 = arith.constant 0 : i32
      %dma_wait3A_100 = arith.constant 0 : i32
      %dma_wait3A_101 = tpu.memref_slice %arg4[%dma_wait3A_99, %dma_wait3A_100] : memref<10240x128xf32, #tpu.memory_space<hbm>> -> memref<10240x128xf32, #tpu.memory_space<hbm>>
      tpu.wait_indirect_dma semaphore(%arg14 : memref<!tpu.dma_semaphore, #tpu.memory_space<semaphore_mem>>) src(%dma_wait3A_101 : memref<10240x128xf32, #tpu.memory_space<hbm>>) dst(%arg11 : memref<128x128xf32, #tpu.memory_space<vmem>>)
      %dma_wait3A_102 = arith.constant 0 : i32
      %dma_wait3A_103 = tpu.memref_slice %arg2[%dma_wait3A_102] : memref<323584xi32, #tpu.memory_space<hbm>> -> memref<128xi32, #tpu.memory_space<hbm>>
      %dma_wait3A_104 = arith.constant 0 : i32
      %dma_wait3A_105 = tpu.memref_slice %arg2[%dma_wait3A_104] : memref<323584xi32, #tpu.memory_space<hbm>> -> memref<128xi32, #tpu.memory_space<hbm>>
      tpu.wait_dma2 semaphore(%arg18 : memref<!tpu.dma_semaphore, #tpu.memory_space<semaphore_mem>>) src(%dma_wait3A_105 : memref<128xi32, #tpu.memory_space<hbm>>) dst(%arg7 : memref<128xi32, #tpu.memory_space<vmem>>)
      "tpu.region"() ({
        %run_scoped3A = tpu.sem_alloc : memref<!tpu.dma_semaphore, #tpu.memory_space<semaphore_mem>>
        %dma_start3A_148 = arith.constant 0 : i32
        %dma_start3A_149 = arith.constant 0 : i32
        %dma_start3A_150 = tpu.memref_slice %arg13[%dma_start3A_148, %dma_start3A_149] : memref<10240x128xf32, #tpu.memory_space<vmem_shared>> -> memref<10240x128xf32, #tpu.memory_space<vmem_shared>>
        tpu.enqueue_indirect_dma source(%arg11 : memref<128x128xf32, #tpu.memory_space<vmem>>) target(%dma_start3A_150 : memref<10240x128xf32, #tpu.memory_space<vmem_shared>>) offsets(%arg7 : memref<128xi32, #tpu.memory_space<vmem>>) semaphore(%run_scoped3A : memref<!tpu.dma_semaphore, #tpu.memory_space<semaphore_mem>>) {add = true}
        %dma_wait3A_151 = arith.constant 0 : i32
        %dma_wait3A_152 = arith.constant 0 : i32
        %dma_wait3A_153 = tpu.memref_slice %arg13[%dma_wait3A_151, %dma_wait3A_152] : memref<10240x128xf32, #tpu.memory_space<vmem_shared>> -> memref<10240x128xf32, #tpu.memory_space<vmem_shared>>
        tpu.wait_indirect_dma semaphore(%run_scoped3A : memref<!tpu.dma_semaphore, #tpu.memory_space<semaphore_mem>>) src(%arg11 : memref<128x128xf32, #tpu.memory_space<vmem>>) dst(%dma_wait3A_153 : memref<10240x128xf32, #tpu.memory_space<vmem_shared>>)
        tpu.yield
      }) : () -> ()
      %add3A_106 = arith.constant 2 : i32
      %add3A_107 = arith.addi %mul3A_98, %add3A_106 : i32
      %sub3A_108 = arith.constant 1 : i32
      %sub3A_109 = arith.subi %select_n3A, %sub3A_108 : i32
      %min3A_110 = arith.minsi %add3A_107, %sub3A_109 : i32
      %add3A_111 = arith.addi %select_n3A_8, %min3A_110 : i32
      %mul3A_112 = arith.constant 128 : i32
      %mul3A_113 = arith.muli %add3A_111, %mul3A_112 : i32
      %dma_start3A_114 = tpu.memref_slice %arg3[%mul3A_113] : memref<323584xi32, #tpu.memory_space<hbm>> -> memref<128xi32, #tpu.memory_space<hbm>>
      %dma_start3A_115 = tpu.memref_slice %arg3[%mul3A_113] : memref<323584xi32, #tpu.memory_space<hbm>> -> memref<128xi32, #tpu.memory_space<hbm>>
      tpu.enqueue_dma source(%dma_start3A_115 : memref<128xi32, #tpu.memory_space<hbm>>) target(%arg9 : memref<128xi32, #tpu.memory_space<vmem>>) target_semaphore(%arg16 : memref<!tpu.dma_semaphore, #tpu.memory_space<semaphore_mem>>)
      %dma_start3A_116 = tpu.memref_slice %arg2[%mul3A_113] : memref<323584xi32, #tpu.memory_space<hbm>> -> memref<128xi32, #tpu.memory_space<hbm>>
      %dma_start3A_117 = tpu.memref_slice %arg2[%mul3A_113] : memref<323584xi32, #tpu.memory_space<hbm>> -> memref<128xi32, #tpu.memory_space<hbm>>
      tpu.enqueue_dma source(%dma_start3A_117 : memref<128xi32, #tpu.memory_space<hbm>>) target(%arg7 : memref<128xi32, #tpu.memory_space<vmem>>) target_semaphore(%arg18 : memref<!tpu.dma_semaphore, #tpu.memory_space<semaphore_mem>>)
      %dma_wait3A_118 = arith.constant 0 : i32
      %dma_wait3A_119 = tpu.memref_slice %arg3[%dma_wait3A_118] : memref<323584xi32, #tpu.memory_space<hbm>> -> memref<128xi32, #tpu.memory_space<hbm>>
      %dma_wait3A_120 = arith.constant 0 : i32
      %dma_wait3A_121 = tpu.memref_slice %arg3[%dma_wait3A_120] : memref<323584xi32, #tpu.memory_space<hbm>> -> memref<128xi32, #tpu.memory_space<hbm>>
      tpu.wait_dma2 semaphore(%arg16 : memref<!tpu.dma_semaphore, #tpu.memory_space<semaphore_mem>>) src(%dma_wait3A_121 : memref<128xi32, #tpu.memory_space<hbm>>) dst(%arg9 : memref<128xi32, #tpu.memory_space<vmem>>)
      %dma_start3A_122 = arith.constant 0 : i32
      %dma_start3A_123 = arith.constant 0 : i32
      %dma_start3A_124 = tpu.memref_slice %arg4[%dma_start3A_122, %dma_start3A_123] : memref<10240x128xf32, #tpu.memory_space<hbm>> -> memref<10240x128xf32, #tpu.memory_space<hbm>>
      tpu.enqueue_indirect_dma source(%dma_start3A_124 : memref<10240x128xf32, #tpu.memory_space<hbm>>) target(%arg11 : memref<128x128xf32, #tpu.memory_space<vmem>>) offsets(%arg9 : memref<128xi32, #tpu.memory_space<vmem>>) semaphore(%arg14 : memref<!tpu.dma_semaphore, #tpu.memory_space<semaphore_mem>>)
      %mul3A_125 = arith.constant 2 : i32
      %mul3A_126 = arith.muli %while3A_89, %mul3A_125 : i32
      %add3A_127 = arith.constant 1 : i32
      %add3A_128 = arith.addi %mul3A_126, %add3A_127 : i32
      %dma_wait3A_129 = arith.constant 0 : i32
      %dma_wait3A_130 = arith.constant 0 : i32
      %dma_wait3A_131 = tpu.memref_slice %arg4[%dma_wait3A_129, %dma_wait3A_130] : memref<10240x128xf32, #tpu.memory_space<hbm>> -> memref<10240x128xf32, #tpu.memory_space<hbm>>
      tpu.wait_indirect_dma semaphore(%arg15 : memref<!tpu.dma_semaphore, #tpu.memory_space<semaphore_mem>>) src(%dma_wait3A_131 : memref<10240x128xf32, #tpu.memory_space<hbm>>) dst(%arg12 : memref<128x128xf32, #tpu.memory_space<vmem>>)
      %dma_wait3A_132 = arith.constant 0 : i32
      %dma_wait3A_133 = tpu.memref_slice %arg2[%dma_wait3A_132] : memref<323584xi32, #tpu.memory_space<hbm>> -> memref<128xi32, #tpu.memory_space<hbm>>
      %dma_wait3A_134 = arith.constant 0 : i32
      %dma_wait3A_135 = tpu.memref_slice %arg2[%dma_wait3A_134] : memref<323584xi32, #tpu.memory_space<hbm>> -> memref<128xi32, #tpu.memory_space<hbm>>
      tpu.wait_dma2 semaphore(%arg19 : memref<!tpu.dma_semaphore, #tpu.memory_space<semaphore_mem>>) src(%dma_wait3A_135 : memref<128xi32, #tpu.memory_space<hbm>>) dst(%arg8 : memref<128xi32, #tpu.memory_space<vmem>>)
      "tpu.region"() ({
        %run_scoped3A = tpu.sem_alloc : memref<!tpu.dma_semaphore, #tpu.memory_space<semaphore_mem>>
        %dma_start3A_148 = arith.constant 0 : i32
        %dma_start3A_149 = arith.constant 0 : i32
        %dma_start3A_150 = tpu.memref_slice %arg13[%dma_start3A_148, %dma_start3A_149] : memref<10240x128xf32, #tpu.memory_space<vmem_shared>> -> memref<10240x128xf32, #tpu.memory_space<vmem_shared>>
        tpu.enqueue_indirect_dma source(%arg12 : memref<128x128xf32, #tpu.memory_space<vmem>>) target(%dma_start3A_150 : memref<10240x128xf32, #tpu.memory_space<vmem_shared>>) offsets(%arg8 : memref<128xi32, #tpu.memory_space<vmem>>) semaphore(%run_scoped3A : memref<!tpu.dma_semaphore, #tpu.memory_space<semaphore_mem>>) {add = true}
        %dma_wait3A_151 = arith.constant 0 : i32
        %dma_wait3A_152 = arith.constant 0 : i32
        %dma_wait3A_153 = tpu.memref_slice %arg13[%dma_wait3A_151, %dma_wait3A_152] : memref<10240x128xf32, #tpu.memory_space<vmem_shared>> -> memref<10240x128xf32, #tpu.memory_space<vmem_shared>>
        tpu.wait_indirect_dma semaphore(%run_scoped3A : memref<!tpu.dma_semaphore, #tpu.memory_space<semaphore_mem>>) src(%arg12 : memref<128x128xf32, #tpu.memory_space<vmem>>) dst(%dma_wait3A_153 : memref<10240x128xf32, #tpu.memory_space<vmem_shared>>)
        tpu.yield
      }) : () -> ()
      %add3A_136 = arith.constant 2 : i32
      %add3A_137 = arith.addi %add3A_128, %add3A_136 : i32
      %sub3A_138 = arith.constant 1 : i32
      %sub3A_139 = arith.subi %select_n3A, %sub3A_138 : i32
      %min3A_140 = arith.minsi %add3A_137, %sub3A_139 : i32
      %add3A_141 = arith.addi %select_n3A_8, %min3A_140 : i32
      %mul3A_142 = arith.constant 128 : i32
      %mul3A_143 = arith.muli %add3A_141, %mul3A_142 : i32
      %dma_start3A_144 = tpu.memref_slice %arg3[%mul3A_143] : memref<323584xi32, #tpu.memory_space<hbm>> -> memref<128xi32, #tpu.memory_space<hbm>>
      %dma_start3A_145 = tpu.memref_slice %arg3[%mul3A_143] : memref<323584xi32, #tpu.memory_space<hbm>> -> memref<128xi32, #tpu.memory_space<hbm>>
      tpu.enqueue_dma source(%dma_start3A_145 : memref<128xi32, #tpu.memory_space<hbm>>) target(%arg10 : memref<128xi32, #tpu.memory_space<vmem>>) target_semaphore(%arg17 : memref<!tpu.dma_semaphore, #tpu.memory_space<semaphore_mem>>)
      %dma_start3A_146 = tpu.memref_slice %arg2[%mul3A_143] : memref<323584xi32, #tpu.memory_space<hbm>> -> memref<128xi32, #tpu.memory_space<hbm>>
      %dma_start3A_147 = tpu.memref_slice %arg2[%mul3A_143] : memref<323584xi32, #tpu.memory_space<hbm>> -> memref<128xi32, #tpu.memory_space<hbm>>
      tpu.enqueue_dma source(%dma_start3A_147 : memref<128xi32, #tpu.memory_space<hbm>>) target(%arg8 : memref<128xi32, #tpu.memory_space<vmem>>) target_semaphore(%arg19 : memref<!tpu.dma_semaphore, #tpu.memory_space<semaphore_mem>>)
    }
    %sub3A_66 = arith.constant 1 : i32
    %sub3A_67 = arith.subi %select_n3A, %sub3A_66 : i32
    %dma_wait3A_68 = arith.constant 0 : i32
    %dma_wait3A_69 = arith.constant 0 : i32
    %dma_wait3A_70 = tpu.memref_slice %arg4[%dma_wait3A_68, %dma_wait3A_69] : memref<10240x128xf32, #tpu.memory_space<hbm>> -> memref<10240x128xf32, #tpu.memory_space<hbm>>
    tpu.wait_indirect_dma semaphore(%arg14 : memref<!tpu.dma_semaphore, #tpu.memory_space<semaphore_mem>>) src(%dma_wait3A_70 : memref<10240x128xf32, #tpu.memory_space<hbm>>) dst(%arg11 : memref<128x128xf32, #tpu.memory_space<vmem>>)
    %dma_wait3A_71 = arith.constant 0 : i32
    %dma_wait3A_72 = tpu.memref_slice %arg2[%dma_wait3A_71] : memref<323584xi32, #tpu.memory_space<hbm>> -> memref<128xi32, #tpu.memory_space<hbm>>
    %dma_wait3A_73 = arith.constant 0 : i32
    %dma_wait3A_74 = tpu.memref_slice %arg2[%dma_wait3A_73] : memref<323584xi32, #tpu.memory_space<hbm>> -> memref<128xi32, #tpu.memory_space<hbm>>
    tpu.wait_dma2 semaphore(%arg18 : memref<!tpu.dma_semaphore, #tpu.memory_space<semaphore_mem>>) src(%dma_wait3A_74 : memref<128xi32, #tpu.memory_space<hbm>>) dst(%arg7 : memref<128xi32, #tpu.memory_space<vmem>>)
    "tpu.region"() ({
      %run_scoped3A = tpu.sem_alloc : memref<!tpu.dma_semaphore, #tpu.memory_space<semaphore_mem>>
      %dma_start3A_89 = arith.constant 0 : i32
      %dma_start3A_90 = arith.constant 0 : i32
      %dma_start3A_91 = tpu.memref_slice %arg13[%dma_start3A_89, %dma_start3A_90] : memref<10240x128xf32, #tpu.memory_space<vmem_shared>> -> memref<10240x128xf32, #tpu.memory_space<vmem_shared>>
      tpu.enqueue_indirect_dma source(%arg11 : memref<128x128xf32, #tpu.memory_space<vmem>>) target(%dma_start3A_91 : memref<10240x128xf32, #tpu.memory_space<vmem_shared>>) offsets(%arg7 : memref<128xi32, #tpu.memory_space<vmem>>) semaphore(%run_scoped3A : memref<!tpu.dma_semaphore, #tpu.memory_space<semaphore_mem>>) {add = true}
      %dma_wait3A_92 = arith.constant 0 : i32
      %dma_wait3A_93 = arith.constant 0 : i32
      %dma_wait3A_94 = tpu.memref_slice %arg13[%dma_wait3A_92, %dma_wait3A_93] : memref<10240x128xf32, #tpu.memory_space<vmem_shared>> -> memref<10240x128xf32, #tpu.memory_space<vmem_shared>>
      tpu.wait_indirect_dma semaphore(%run_scoped3A : memref<!tpu.dma_semaphore, #tpu.memory_space<semaphore_mem>>) src(%arg11 : memref<128x128xf32, #tpu.memory_space<vmem>>) dst(%dma_wait3A_94 : memref<10240x128xf32, #tpu.memory_space<vmem_shared>>)
      tpu.yield
    }) : () -> ()
    %dma_wait3A_75 = arith.constant 0 : i32
    %dma_wait3A_76 = tpu.memref_slice %arg3[%dma_wait3A_75] : memref<323584xi32, #tpu.memory_space<hbm>> -> memref<128xi32, #tpu.memory_space<hbm>>
    %dma_wait3A_77 = arith.constant 0 : i32
    %dma_wait3A_78 = tpu.memref_slice %arg3[%dma_wait3A_77] : memref<323584xi32, #tpu.memory_space<hbm>> -> memref<128xi32, #tpu.memory_space<hbm>>
    tpu.wait_dma2 semaphore(%arg17 : memref<!tpu.dma_semaphore, #tpu.memory_space<semaphore_mem>>) src(%dma_wait3A_78 : memref<128xi32, #tpu.memory_space<hbm>>) dst(%arg10 : memref<128xi32, #tpu.memory_space<vmem>>)
    %dma_wait3A_79 = arith.constant 0 : i32
    %dma_wait3A_80 = tpu.memref_slice %arg2[%dma_wait3A_79] : memref<323584xi32, #tpu.memory_space<hbm>> -> memref<128xi32, #tpu.memory_space<hbm>>
    %dma_wait3A_81 = arith.constant 0 : i32
    %dma_wait3A_82 = tpu.memref_slice %arg2[%dma_wait3A_81] : memref<323584xi32, #tpu.memory_space<hbm>> -> memref<128xi32, #tpu.memory_space<hbm>>
    tpu.wait_dma2 semaphore(%arg19 : memref<!tpu.dma_semaphore, #tpu.memory_space<semaphore_mem>>) src(%dma_wait3A_82 : memref<128xi32, #tpu.memory_space<hbm>>) dst(%arg8 : memref<128xi32, #tpu.memory_space<vmem>>)
    %barrier3A_83 = arith.constant 0 : index
    tpu.barrier barrier_id(%barrier3A_83)
    %mul3A_84 = arith.constant 10240 : i32
    %mul3A_85 = arith.muli %arg0, %mul3A_84 : i32
    %mul3A_86 = arith.constant 640 : i32
    %mul3A_87 = arith.muli %arg1, %mul3A_86 : i32
    %add3A_88 = arith.addi %mul3A_85, %mul3A_87 : i32
    "tpu.region"() ({
      %run_scoped3A = tpu.sem_alloc : memref<!tpu.dma_semaphore, #tpu.memory_space<semaphore_mem>>
      %dma_start3A_89 = arith.constant 0 : i32
      %dma_start3A_90 = tpu.memref_slice %arg6[%add3A_88, %dma_start3A_89] : memref<20480x128xf32, #tpu.memory_space<hbm>> -> memref<640x128xf32, #tpu.memory_space<hbm>>
      %dma_start3A_91 = arith.constant 0 : i32
      %dma_start3A_92 = tpu.memref_slice %arg13[%mul3A_10, %dma_start3A_91] : memref<10240x128xf32, #tpu.memory_space<vmem_shared>> -> memref<640x128xf32, #tpu.memory_space<vmem_shared>>
      tpu.enqueue_dma source(%dma_start3A_92 : memref<640x128xf32, #tpu.memory_space<vmem_shared>>) target(%dma_start3A_90 : memref<640x128xf32, #tpu.memory_space<hbm>>) target_semaphore(%run_scoped3A : memref<!tpu.dma_semaphore, #tpu.memory_space<semaphore_mem>>)
      %dma_wait3A_93 = arith.constant 0 : i32
      %dma_wait3A_94 = tpu.memref_slice %arg6[%add3A_88, %dma_wait3A_93] : memref<20480x128xf32, #tpu.memory_space<hbm>> -> memref<640x128xf32, #tpu.memory_space<hbm>>
      %dma_wait3A_95 = arith.constant 0 : i32
      %dma_wait3A_96 = tpu.memref_slice %arg13[%mul3A_10, %dma_wait3A_95] : memref<10240x128xf32, #tpu.memory_space<vmem_shared>> -> memref<640x128xf32, #tpu.memory_space<vmem_shared>>
      tpu.wait_dma2 semaphore(%run_scoped3A : memref<!tpu.dma_semaphore, #tpu.memory_space<semaphore_mem>>) src(%dma_wait3A_96 : memref<640x128xf32, #tpu.memory_space<vmem_shared>>) dst(%dma_wait3A_94 : memref<640x128xf32, #tpu.memory_space<hbm>>)
      tpu.yield
    }) : () -> ()
    return
  }
}

module attributes {stable_mosaic.version = 14 : i64} {
  func.func @_tc_degree_body(%arg0: i32, %arg1: memref<1x1x2000xi32, #tpu.memory_space<vmem>>, %arg2: memref<128x128xf32, #tpu.memory_space<vmem>>) attributes {dimension_semantics = [#tpu.dimension_semantics<arbitrary>], iteration_bounds = array<i64: 160>, scalar_prefetch = 0 : i64, scratch_operands = 0 : i64, tpu.core_type = #tpu.core_type<tc>, window_params = [{transform_indices = @transform_0, window_bounds = array<i64: 1, 1, 2000>}, {pipeline_mode = #tpu.pipeline_mode<synchronous>, transform_indices = @transform_1, window_bounds = array<i64: 128, 128>}]} {
    %eq3A = arith.constant 0 : i32
    %eq3A_0 = arith.cmpi eq, %arg0, %eq3A : i32
    %convert_element_type3A = arith.extui %eq3A_0 : i1 to i32
    %cond3A = arith.constant 0 : i32
    %cond3A_1 = arith.cmpi ne, %convert_element_type3A, %cond3A : i32
    scf.if %cond3A_1 {
      %broadcast_in_dim3A_28 = arith.constant 0.000000e+00 : f32
      %broadcast_in_dim3A_29 = vector.broadcast %broadcast_in_dim3A_28 : f32 to vector<128x128xf32>
      %swap3A_30 = arith.constant 0 : index
      %swap3A_31 = arith.constant 0 : index
      %swap3A_32 = vector.load %arg2[%swap3A_30, %swap3A_31] : memref<128x128xf32, #tpu.memory_space<vmem>>, vector<128x128xf32>
      tpu.vector_store %arg2[%swap3A_30, %swap3A_31], %broadcast_in_dim3A_29 {strides = array<i32>} : memref<128x128xf32, #tpu.memory_space<vmem>>, vector<128x128xf32>,
    } else {
    }
    %get3A = arith.constant 0 : index
    %get3A_2 = arith.constant 0 : index
    %get3A_3 = arith.constant 0 : index
    %get3A_4 = vector.load %arg1[%get3A, %get3A_2, %get3A_3] : memref<1x1x2000xi32, #tpu.memory_space<vmem>>, vector<1x1x2000xi32>
    %get3A_5 = vector.shape_cast %get3A_4 : vector<1x1x2000xi32> to vector<2000xi32>
    %shift_right_logical3A = arith.constant 7 : i32
    %shift_right_logical3A_6 = vector.broadcast %shift_right_logical3A : i32 to vector<2000xi32>
    %shift_right_logical3A_7 = arith.shrui %get3A_5, %shift_right_logical3A_6 : vector<2000xi32>
    %and3A = arith.constant 127 : i32
    %and3A_8 = vector.broadcast %and3A : i32 to vector<2000xi32>
    %and3A_9 = arith.andi %get3A_5, %and3A_8 : vector<2000xi32>
    %iota3A = tpu.iota {dimensions = array<i32: 0>} : vector<128x2000xi32>
    %broadcast_in_dim3A = vector.shape_cast %shift_right_logical3A_7 : vector<2000xi32> to vector<1x2000xi32>
    %eq3A_10 = vector.broadcast %broadcast_in_dim3A : vector<1x2000xi32> to vector<128x2000xi32>
    %eq3A_11 = arith.cmpi eq, %iota3A, %eq3A_10 : vector<128x2000xi32>
    %convert_element_type3A_12 = arith.extui %eq3A_11 : vector<128x2000xi1> to vector<128x2000xi32>
    %convert_element_type3A_13 = arith.sitofp %convert_element_type3A_12 : vector<128x2000xi32> to vector<128x2000xf32>
    %convert_element_type3A_14 = arith.truncf %convert_element_type3A_13 : vector<128x2000xf32> to vector<128x2000xbf16>
    %iota3A_15 = tpu.iota {dimensions = array<i32: 1>} : vector<2000x128xi32>
    %broadcast_in_dim3A_16 = vector.shape_cast %and3A_9 : vector<2000xi32> to vector<2000x1xi32>
    %eq3A_17 = vector.broadcast %broadcast_in_dim3A_16 : vector<2000x1xi32> to vector<2000x128xi32>
    %eq3A_18 = arith.cmpi eq, %iota3A_15, %eq3A_17 : vector<2000x128xi32>
    %convert_element_type3A_19 = arith.extui %eq3A_18 : vector<2000x128xi1> to vector<2000x128xi32>
    %convert_element_type3A_20 = arith.sitofp %convert_element_type3A_19 : vector<2000x128xi32> to vector<2000x128xf32>
    %convert_element_type3A_21 = arith.truncf %convert_element_type3A_20 : vector<2000x128xf32> to vector<2000x128xbf16>
    %get3A_22 = arith.constant 0 : index
    %get3A_23 = arith.constant 0 : index
    %get3A_24 = vector.load %arg2[%get3A_22, %get3A_23] : memref<128x128xf32, #tpu.memory_space<vmem>>, vector<128x128xf32>
    %dot_general3A = arith.constant dense<0.000000e+00> : vector<128x128xf32>
    %dot_general3A_25 = tpu.matmul %convert_element_type3A_14, %convert_element_type3A_21, %dot_general3A {dimension_numbers = #tpu.dot_dimension_numbers<[1], [0], [0], [1], [0, 0, 1, 1], [], []>, transpose_lhs_hint = false} : vector<128x2000xbf16>, vector<2000x128xbf16>, vector<128x128xf32> -> vector<128x128xf32>
    %add3A = arith.addf %get3A_24, %dot_general3A_25 : vector<128x128xf32>
    %swap3A = arith.constant 0 : index
    %swap3A_26 = arith.constant 0 : index
    %swap3A_27 = vector.load %arg2[%swap3A, %swap3A_26] : memref<128x128xf32, #tpu.memory_space<vmem>>, vector<128x128xf32>
    tpu.vector_store %arg2[%swap3A, %swap3A_26], %add3A {strides = array<i32>} : memref<128x128xf32, #tpu.memory_space<vmem>>, vector<128x128xf32>,
    return
  }
  func.func @transform_0(%arg0: i32) -> (i32, i32, i32) {
    %c0_i32 = arith.constant 0 : i32
    %c0_i32_0 = arith.constant 0 : i32
    %c0_i32_1 = arith.constant 0 : i32
    return %arg0, %c0_i32, %c0_i32_0 : i32, i32, i32
  }
  func.func @transform_1(%arg0: i32) -> (i32, i32) {
    %c0_i32 = arith.constant 0 : i32
    %c0_i32_0 = arith.constant 0 : i32
    %c0_i32_1 = arith.constant 0 : i32
    return %c0_i32, %c0_i32_0 : i32, i32
  }
}

module attributes {stable_mosaic.version = 14 : i64} {
  func.func @_tc_scale_body(%arg0: memref<10240x128xf32, #tpu.memory_space<vmem>>, %arg1: memref<10240x1xf32, #tpu.memory_space<vmem>>, %arg2: memref<10240x128xf32, #tpu.memory_space<vmem>>) attributes {dimension_semantics = [], scalar_prefetch = 0 : i64, scratch_operands = 0 : i64, tpu.core_type = #tpu.core_type<tc>} {
    %get3A = arith.constant 0 : index
    %get3A_0 = arith.constant 0 : index
    %get3A_1 = vector.load %arg1[%get3A, %get3A_0] : memref<10240x1xf32, #tpu.memory_space<vmem>>, vector<10240x1xf32>
    %gt3A = arith.constant 0.000000e+00 : f32
    %gt3A_2 = vector.broadcast %gt3A : f32 to vector<10240x1xf32>
    %gt3A_3 = arith.cmpf ogt, %get3A_1, %gt3A_2 : vector<10240x1xf32>
    %rsqrt3A = math.rsqrt %get3A_1 : vector<10240x1xf32>
    %jit3A = arith.constant 0.000000e+00 : f32
    %broadcast_in_dim3A = vector.broadcast %jit3A : f32 to vector<10240x1xf32>
    %select_n3A = arith.select %gt3A_3, %rsqrt3A, %broadcast_in_dim3A : vector<10240x1xi1>, vector<10240x1xf32>
    %get3A_4 = arith.constant 0 : index
    %get3A_5 = arith.constant 0 : index
    %get3A_6 = vector.load %arg0[%get3A_4, %get3A_5] : memref<10240x128xf32, #tpu.memory_space<vmem>>, vector<10240x128xf32>
    %mul3A = vector.broadcast %select_n3A : vector<10240x1xf32> to vector<10240x128xf32>
    %mul3A_7 = arith.mulf %get3A_6, %mul3A : vector<10240x128xf32>
    %swap3A = arith.constant 0 : index
    %swap3A_8 = arith.constant 0 : index
    %swap3A_9 = vector.load %arg2[%swap3A, %swap3A_8] : memref<10240x128xf32, #tpu.memory_space<vmem>>, vector<10240x128xf32>
    tpu.vector_store %arg2[%swap3A, %swap3A_8], %mul3A_7 {strides = array<i32>} : memref<10240x128xf32, #tpu.memory_space<vmem>>, vector<10240x128xf32>,
    return
  }
}

module attributes {stable_mosaic.version = 14 : i64} {
  func.func @_tc_dense_body(%arg0: i32, %arg1: memref<1x1xf32, #tpu.memory_space<smem>>, %arg2: memref<1000x128xf32, #tpu.memory_space<vmem>>, %arg3: memref<1000x128xf32, #tpu.memory_space<vmem>>, %arg4: memref<1000x128xf32, #tpu.memory_space<vmem>>, %arg5: memref<128x128xf32, #tpu.memory_space<vmem>>, %arg6: memref<1x128xf32, #tpu.memory_space<vmem>>, %arg7: memref<128x128xf32, #tpu.memory_space<vmem>>, %arg8: memref<1x128xf32, #tpu.memory_space<vmem>>, %arg9: memref<1000x128xf32, #tpu.memory_space<vmem>>) attributes {dimension_semantics = [#tpu.dimension_semantics<arbitrary>], iteration_bounds = array<i64: 10>, scalar_prefetch = 0 : i64, scratch_operands = 0 : i64, tpu.core_type = #tpu.core_type<tc>, window_params = [{transform_indices = @transform_0, window_bounds = array<i64: 1, 1>}, {transform_indices = @transform_1, window_bounds = array<i64: 1000, 128>}, {transform_indices = @transform_2, window_bounds = array<i64: 1000, 128>}, {transform_indices = @transform_3, window_bounds = array<i64: 1000, 128>}, {pipeline_mode = #tpu.pipeline_mode<synchronous>, transform_indices = @transform_4, window_bounds = array<i64: 128, 128>}, {pipeline_mode = #tpu.pipeline_mode<synchronous>, transform_indices = @transform_5, window_bounds = array<i64: 1, 128>}, {pipeline_mode = #tpu.pipeline_mode<synchronous>, transform_indices = @transform_6, window_bounds = array<i64: 128, 128>}, {pipeline_mode = #tpu.pipeline_mode<synchronous>, transform_indices = @transform_7, window_bounds = array<i64: 1, 128>}, {transform_indices = @transform_8, window_bounds = array<i64: 1000, 128>}]} {
    %iota3A = tpu.iota {dimensions = array<i32: 1>} : vector<1000x128xi32>
    %gt3A = arith.constant 0 : i32
    %gt3A_0 = vector.broadcast %gt3A : i32 to vector<1000x128xi32>
    %gt3A_1 = arith.cmpi sgt, %iota3A, %gt3A_0 : vector<1000x128xi32>
    %jit3A = arith.constant 1.000000e+00 : f32
    %jit3A_2 = arith.constant 0.000000e+00 : f32
    %broadcast_in_dim3A = vector.broadcast %jit3A : f32 to vector<1000x128xf32>
    %broadcast_in_dim3A_3 = vector.broadcast %jit3A_2 : f32 to vector<1000x128xf32>
    %select_n3A = arith.select %gt3A_1, %broadcast_in_dim3A, %broadcast_in_dim3A_3 : vector<1000x128xi1>, vector<1000x128xf32>
    %eq3A = arith.constant 0 : i32
    %eq3A_4 = vector.broadcast %eq3A : i32 to vector<1000x128xi32>
    %eq3A_5 = arith.cmpi eq, %iota3A, %eq3A_4 : vector<1000x128xi32>
    %jit3A_6 = arith.constant 1.000000e+00 : f32
    %jit3A_7 = arith.constant 0.000000e+00 : f32
    %broadcast_in_dim3A_8 = vector.broadcast %jit3A_6 : f32 to vector<1000x128xf32>
    %broadcast_in_dim3A_9 = vector.broadcast %jit3A_7 : f32 to vector<1000x128xf32>
    %select_n3A_10 = arith.select %eq3A_5, %broadcast_in_dim3A_8, %broadcast_in_dim3A_9 : vector<1000x128xi1>, vector<1000x128xf32>
    %get3A = arith.constant 0 : index
    %get3A_11 = arith.constant 0 : index
    %get3A_12 = memref.load %arg1[%get3A, %get3A_11] : memref<1x1xf32, #tpu.memory_space<smem>>
    %get3A_13 = arith.constant 0 : index
    %get3A_14 = arith.constant 0 : index
    %get3A_15 = vector.load %arg2[%get3A_13, %get3A_14] : memref<1000x128xf32, #tpu.memory_space<vmem>>, vector<1000x128xf32>
    %get3A_16 = arith.constant 0 : index
    %get3A_17 = arith.constant 0 : index
    %get3A_18 = vector.load %arg3[%get3A_16, %get3A_17] : memref<1000x128xf32, #tpu.memory_space<vmem>>, vector<1000x128xf32>
    %get3A_19 = arith.constant 0 : index
    %get3A_20 = arith.constant 0 : index
    %get3A_21 = vector.load %arg4[%get3A_19, %get3A_20] : memref<1000x128xf32, #tpu.memory_space<vmem>>, vector<1000x128xf32>
    %add3A = arith.addf %get3A_18, %get3A_21 : vector<1000x128xf32>
    %mul3A = arith.mulf %add3A, %add3A : vector<1000x128xf32>
    %reduce_sum3A = arith.constant dense<0.000000e+00> : vector<1000xf32>
    %reduce_sum3A_22 = vector.multi_reduction <add>, %mul3A, %reduce_sum3A [1] : vector<1000x128xf32> to vector<1000xf32>
    %broadcast_in_dim3A_23 = vector.shape_cast %reduce_sum3A_22 : vector<1000xf32> to vector<1000x1xf32>
    %slice3A = vector.extract_strided_slice %add3A {offsets = [0, 0], sizes = [1000, 1], strides = [1, 1]} : vector<1000x128xf32> to vector<1000x1xf32>
    %slice3A_24 = vector.extract_strided_slice %add3A {offsets = [0, 0], sizes = [1000, 1], strides = [1, 1]} : vector<1000x128xf32> to vector<1000x1xf32>
    %mul3A_25 = arith.mulf %slice3A, %slice3A_24 : vector<1000x1xf32>
    %mul3A_26 = arith.constant 2.000000e+00 : f32
    %mul3A_27 = vector.broadcast %mul3A_26 : f32 to vector<1000x1xf32>
    %mul3A_28 = arith.mulf %mul3A_27, %mul3A_25 : vector<1000x1xf32>
    %sub3A = arith.subf %broadcast_in_dim3A_23, %mul3A_28 : vector<1000x1xf32>
    %neg3A = arith.constant 0.000000e+00 : f32
    %neg3A_29 = vector.broadcast %neg3A : f32 to vector<1000x1xf32>
    %neg3A_30 = arith.subf %neg3A_29, %sub3A : vector<1000x1xf32>
    %jit3A_31 = arith.constant 9.99999971E-10 : f32
    %max3A = vector.broadcast %jit3A_31 : f32 to vector<1000x1xf32>
    %max3A_32 = arith.maximumf %max3A, %neg3A_30 : vector<1000x1xf32>
    %sqrt3A = math.sqrt %max3A_32 : vector<1000x1xf32>
    %div3A = vector.broadcast %sqrt3A : vector<1000x1xf32> to vector<1000x128xf32>
    %div3A_33 = arith.divf %add3A, %div3A : vector<1000x128xf32>
    %add3A_34 = arith.constant 1.000000e+00 : f32
    %add3A_35 = arith.addf %add3A_34, %get3A_12 : f32
    %mul3A_36 = arith.mulf %get3A_15, %select_n3A : vector<1000x128xf32>
    %mul3A_37 = arith.mulf %mul3A_36, %mul3A_36 : vector<1000x128xf32>
    %reduce_sum3A_38 = arith.constant dense<0.000000e+00> : vector<1000xf32>
    %reduce_sum3A_39 = vector.multi_reduction <add>, %mul3A_37, %reduce_sum3A_38 [1] : vector<1000x128xf32> to vector<1000xf32>
    %broadcast_in_dim3A_40 = vector.shape_cast %reduce_sum3A_39 : vector<1000xf32> to vector<1000x1xf32>
    %jit3A_41 = arith.constant 9.99999971E-10 : f32
    %max3A_42 = vector.broadcast %jit3A_41 : f32 to vector<1000x1xf32>
    %max3A_43 = arith.maximumf %max3A_42, %broadcast_in_dim3A_40 : vector<1000x1xf32>
    %sqrt3A_44 = math.sqrt %max3A_43 : vector<1000x1xf32>
    %slice3A_45 = vector.extract_strided_slice %get3A_15 {offsets = [0, 0], sizes = [1000, 1], strides = [1, 1]} : vector<1000x128xf32> to vector<1000x1xf32>
    %jit3A_46 = arith.constant 1.00000012 : f32
    %max3A_47 = vector.broadcast %jit3A_46 : f32 to vector<1000x1xf32>
    %max3A_48 = arith.maximumf %max3A_47, %slice3A_45 : vector<1000x1xf32>
    %sub3A_49 = arith.constant 1.000000e+00 : f32
    %sub3A_50 = vector.broadcast %sub3A_49 : f32 to vector<1000x1xf32>
    %sub3A_51 = arith.subf %max3A_48, %sub3A_50 : vector<1000x1xf32>
    %add3A_52 = arith.constant 1.000000e+00 : f32
    %add3A_53 = vector.broadcast %add3A_52 : f32 to vector<1000x1xf32>
    %add3A_54 = arith.addf %max3A_48, %add3A_53 : vector<1000x1xf32>
    %mul3A_55 = arith.mulf %sub3A_51, %add3A_54 : vector<1000x1xf32>
    %sqrt3A_56 = math.sqrt %mul3A_55 : vector<1000x1xf32>
    %add3A_57 = arith.addf %max3A_48, %sqrt3A_56 : vector<1000x1xf32>
    %log3A = math.log %add3A_57 : vector<1000x1xf32>
    %div3A_58 = arith.divf %log3A, %sqrt3A_44 : vector<1000x1xf32>
    %mul3A_59 = vector.broadcast %div3A_58 : vector<1000x1xf32> to vector<1000x128xf32>
    %mul3A_60 = arith.mulf %mul3A_59, %mul3A_36 : vector<1000x128xf32>
    %mul3A_61 = vector.broadcast %add3A_35 : f32 to vector<1000x128xf32>
    %mul3A_62 = arith.mulf %mul3A_61, %mul3A_60 : vector<1000x128xf32>
    %mul3A_63 = arith.mulf %div3A_33, %select_n3A : vector<1000x128xf32>
    %mul3A_64 = arith.mulf %mul3A_63, %mul3A_63 : vector<1000x128xf32>
    %reduce_sum3A_65 = arith.constant dense<0.000000e+00> : vector<1000xf32>
    %reduce_sum3A_66 = vector.multi_reduction <add>, %mul3A_64, %reduce_sum3A_65 [1] : vector<1000x128xf32> to vector<1000xf32>
    %broadcast_in_dim3A_67 = vector.shape_cast %reduce_sum3A_66 : vector<1000xf32> to vector<1000x1xf32>
    %jit3A_68 = arith.constant 9.99999971E-10 : f32
    %max3A_69 = vector.broadcast %jit3A_68 : f32 to vector<1000x1xf32>
    %max3A_70 = arith.maximumf %max3A_69, %broadcast_in_dim3A_67 : vector<1000x1xf32>
    %sqrt3A_71 = math.sqrt %max3A_70 : vector<1000x1xf32>
    %slice3A_72 = vector.extract_strided_slice %div3A_33 {offsets = [0, 0], sizes = [1000, 1], strides = [1, 1]} : vector<1000x128xf32> to vector<1000x1xf32>
    %jit3A_73 = arith.constant 1.00000012 : f32
    %max3A_74 = vector.broadcast %jit3A_73 : f32 to vector<1000x1xf32>
    %max3A_75 = arith.maximumf %max3A_74, %slice3A_72 : vector<1000x1xf32>
    %sub3A_76 = arith.constant 1.000000e+00 : f32
    %sub3A_77 = vector.broadcast %sub3A_76 : f32 to vector<1000x1xf32>
    %sub3A_78 = arith.subf %max3A_75, %sub3A_77 : vector<1000x1xf32>
    %add3A_79 = arith.constant 1.000000e+00 : f32
    %add3A_80 = vector.broadcast %add3A_79 : f32 to vector<1000x1xf32>
    %add3A_81 = arith.addf %max3A_75, %add3A_80 : vector<1000x1xf32>
    %mul3A_82 = arith.mulf %sub3A_78, %add3A_81 : vector<1000x1xf32>
    %sqrt3A_83 = math.sqrt %mul3A_82 : vector<1000x1xf32>
    %add3A_84 = arith.addf %max3A_75, %sqrt3A_83 : vector<1000x1xf32>
    %log3A_85 = math.log %add3A_84 : vector<1000x1xf32>
    %div3A_86 = arith.divf %log3A_85, %sqrt3A_71 : vector<1000x1xf32>
    %mul3A_87 = vector.broadcast %div3A_86 : vector<1000x1xf32> to vector<1000x128xf32>
    %mul3A_88 = arith.mulf %mul3A_87, %mul3A_63 : vector<1000x128xf32>
    %add3A_89 = arith.addf %mul3A_62, %mul3A_88 : vector<1000x128xf32>
    %mul3A_90 = arith.mulf %add3A_89, %add3A_89 : vector<1000x128xf32>
    %reduce_sum3A_91 = arith.constant dense<0.000000e+00> : vector<1000xf32>
    %reduce_sum3A_92 = vector.multi_reduction <add>, %mul3A_90, %reduce_sum3A_91 [1] : vector<1000x128xf32> to vector<1000xf32>
    %broadcast_in_dim3A_93 = vector.shape_cast %reduce_sum3A_92 : vector<1000xf32> to vector<1000x1xf32>
    %jit3A_94 = arith.constant 9.99999971E-10 : f32
    %max3A_95 = vector.broadcast %jit3A_94 : f32 to vector<1000x1xf32>
    %max3A_96 = arith.maximumf %max3A_95, %broadcast_in_dim3A_93 : vector<1000x1xf32>
    %sqrt3A_97 = math.sqrt %max3A_96 : vector<1000x1xf32>
    %exp3A = math.exp %sqrt3A_97 : vector<1000x1xf32>
    %div3A_98 = arith.constant 1.000000e+00 : f32
    %div3A_99 = vector.broadcast %div3A_98 : f32 to vector<1000x1xf32>
    %div3A_100 = arith.divf %div3A_99, %exp3A : vector<1000x1xf32>
    %sub3A_101 = arith.subf %exp3A, %div3A_100 : vector<1000x1xf32>
    %mul3A_102 = arith.constant 5.000000e-01 : f32
    %mul3A_103 = vector.broadcast %mul3A_102 : f32 to vector<1000x1xf32>
    %mul3A_104 = arith.mulf %mul3A_103, %sub3A_101 : vector<1000x1xf32>
    %div3A_105 = arith.divf %mul3A_104, %sqrt3A_97 : vector<1000x1xf32>
    %mul3A_106 = vector.broadcast %div3A_105 : vector<1000x1xf32> to vector<1000x128xf32>
    %mul3A_107 = arith.mulf %mul3A_106, %add3A_89 : vector<1000x128xf32>
    %mul3A_108 = arith.mulf %mul3A_107, %mul3A_107 : vector<1000x128xf32>
    %reduce_sum3A_109 = arith.constant dense<0.000000e+00> : vector<1000xf32>
    %reduce_sum3A_110 = vector.multi_reduction <add>, %mul3A_108, %reduce_sum3A_109 [1] : vector<1000x128xf32> to vector<1000xf32>
    %broadcast_in_dim3A_111 = vector.shape_cast %reduce_sum3A_110 : vector<1000xf32> to vector<1000x1xf32>
    %add3A_112 = arith.constant 1.000000e+00 : f32
    %add3A_113 = vector.broadcast %add3A_112 : f32 to vector<1000x1xf32>
    %add3A_114 = arith.addf %add3A_113, %broadcast_in_dim3A_111 : vector<1000x1xf32>
    %sqrt3A_115 = math.sqrt %add3A_114 : vector<1000x1xf32>
    %mul3A_116 = vector.broadcast %sqrt3A_115 : vector<1000x1xf32> to vector<1000x128xf32>
    %mul3A_117 = arith.mulf %select_n3A_10, %mul3A_116 : vector<1000x128xf32>
    %add3A_118 = arith.addf %mul3A_107, %mul3A_117 : vector<1000x128xf32>
    %mul3A_119 = arith.mulf %add3A_118, %select_n3A : vector<1000x128xf32>
    %mul3A_120 = arith.mulf %mul3A_119, %mul3A_119 : vector<1000x128xf32>
    %reduce_sum3A_121 = arith.constant dense<0.000000e+00> : vector<1000xf32>
    %reduce_sum3A_122 = vector.multi_reduction <add>, %mul3A_120, %reduce_sum3A_121 [1] : vector<1000x128xf32> to vector<1000xf32>
    %broadcast_in_dim3A_123 = vector.shape_cast %reduce_sum3A_122 : vector<1000xf32> to vector<1000x1xf32>
    %jit3A_124 = arith.constant 9.99999971E-10 : f32
    %max3A_125 = vector.broadcast %jit3A_124 : f32 to vector<1000x1xf32>
    %max3A_126 = arith.maximumf %max3A_125, %broadcast_in_dim3A_123 : vector<1000x1xf32>
    %sqrt3A_127 = math.sqrt %max3A_126 : vector<1000x1xf32>
    %slice3A_128 = vector.extract_strided_slice %add3A_118 {offsets = [0, 0], sizes = [1000, 1], strides = [1, 1]} : vector<1000x128xf32> to vector<1000x1xf32>
    %jit3A_129 = arith.constant 1.00000012 : f32
    %max3A_130 = vector.broadcast %jit3A_129 : f32 to vector<1000x1xf32>
    %max3A_131 = arith.maximumf %max3A_130, %slice3A_128 : vector<1000x1xf32>
    %sub3A_132 = arith.constant 1.000000e+00 : f32
    %sub3A_133 = vector.broadcast %sub3A_132 : f32 to vector<1000x1xf32>
    %sub3A_134 = arith.subf %max3A_131, %sub3A_133 : vector<1000x1xf32>
    %add3A_135 = arith.constant 1.000000e+00 : f32
    %add3A_136 = vector.broadcast %add3A_135 : f32 to vector<1000x1xf32>
    %add3A_137 = arith.addf %max3A_131, %add3A_136 : vector<1000x1xf32>
    %mul3A_138 = arith.mulf %sub3A_134, %add3A_137 : vector<1000x1xf32>
    %sqrt3A_139 = math.sqrt %mul3A_138 : vector<1000x1xf32>
    %add3A_140 = arith.addf %max3A_131, %sqrt3A_139 : vector<1000x1xf32>
    %log3A_141 = math.log %add3A_140 : vector<1000x1xf32>
    %div3A_142 = arith.divf %log3A_141, %sqrt3A_127 : vector<1000x1xf32>
    %mul3A_143 = vector.broadcast %div3A_142 : vector<1000x1xf32> to vector<1000x128xf32>
    %mul3A_144 = arith.mulf %mul3A_143, %mul3A_119 : vector<1000x128xf32>
    %get3A_145 = arith.constant 0 : index
    %get3A_146 = arith.constant 0 : index
    %get3A_147 = vector.load %arg5[%get3A_145, %get3A_146] : memref<128x128xf32, #tpu.memory_space<vmem>>, vector<128x128xf32>
    %dot_general3A = arith.constant dense<0.000000e+00> : vector<1000x128xf32>
    %dot_general3A_148 = tpu.matmul %mul3A_144, %get3A_147, %dot_general3A {dimension_numbers = #tpu.dot_dimension_numbers<[1], [0], [0], [1], [0, 0, 1, 1], [], []>, transpose_lhs_hint = false} : vector<1000x128xf32>, vector<128x128xf32>, vector<1000x128xf32> -> vector<1000x128xf32>
    %get3A_149 = arith.constant 0 : index
    %get3A_150 = arith.constant 0 : index
    %get3A_151 = vector.load %arg6[%get3A_149, %get3A_150] : memref<1x128xf32, #tpu.memory_space<vmem>>, vector<1x128xf32>
    %add3A_152 = vector.broadcast %get3A_151 : vector<1x128xf32> to vector<1000x128xf32>
    %add3A_153 = arith.addf %dot_general3A_148, %add3A_152 : vector<1000x128xf32>
    %mul3A_154 = arith.mulf %add3A_153, %add3A_153 : vector<1000x128xf32>
    %reduce_sum3A_155 = arith.constant dense<0.000000e+00> : vector<1000xf32>
    %reduce_sum3A_156 = vector.multi_reduction <add>, %mul3A_154, %reduce_sum3A_155 [1] : vector<1000x128xf32> to vector<1000xf32>
    %broadcast_in_dim3A_157 = vector.shape_cast %reduce_sum3A_156 : vector<1000xf32> to vector<1000x1xf32>
    %jit3A_158 = arith.constant 9.99999971E-10 : f32
    %max3A_159 = vector.broadcast %jit3A_158 : f32 to vector<1000x1xf32>
    %max3A_160 = arith.maximumf %max3A_159, %broadcast_in_dim3A_157 : vector<1000x1xf32>
    %sqrt3A_161 = math.sqrt %max3A_160 : vector<1000x1xf32>
    %exp3A_162 = math.exp %sqrt3A_161 : vector<1000x1xf32>
    %div3A_163 = arith.constant 1.000000e+00 : f32
    %div3A_164 = vector.broadcast %div3A_163 : f32 to vector<1000x1xf32>
    %div3A_165 = arith.divf %div3A_164, %exp3A_162 : vector<1000x1xf32>
    %sub3A_166 = arith.subf %exp3A_162, %div3A_165 : vector<1000x1xf32>
    %mul3A_167 = arith.constant 5.000000e-01 : f32
    %mul3A_168 = vector.broadcast %mul3A_167 : f32 to vector<1000x1xf32>
    %mul3A_169 = arith.mulf %mul3A_168, %sub3A_166 : vector<1000x1xf32>
    %div3A_170 = arith.divf %mul3A_169, %sqrt3A_161 : vector<1000x1xf32>
    %mul3A_171 = vector.broadcast %div3A_170 : vector<1000x1xf32> to vector<1000x128xf32>
    %mul3A_172 = arith.mulf %mul3A_171, %add3A_153 : vector<1000x128xf32>
    %mul3A_173 = arith.mulf %mul3A_172, %mul3A_172 : vector<1000x128xf32>
    %reduce_sum3A_174 = arith.constant dense<0.000000e+00> : vector<1000xf32>
    %reduce_sum3A_175 = vector.multi_reduction <add>, %mul3A_173, %reduce_sum3A_174 [1] : vector<1000x128xf32> to vector<1000xf32>
    %broadcast_in_dim3A_176 = vector.shape_cast %reduce_sum3A_175 : vector<1000xf32> to vector<1000x1xf32>
    %add3A_177 = arith.constant 1.000000e+00 : f32
    %add3A_178 = vector.broadcast %add3A_177 : f32 to vector<1000x1xf32>
    %add3A_179 = arith.addf %add3A_178, %broadcast_in_dim3A_176 : vector<1000x1xf32>
    %sqrt3A_180 = math.sqrt %add3A_179 : vector<1000x1xf32>
    %mul3A_181 = vector.broadcast %sqrt3A_180 : vector<1000x1xf32> to vector<1000x128xf32>
    %mul3A_182 = arith.mulf %select_n3A_10, %mul3A_181 : vector<1000x128xf32>
    %add3A_183 = arith.addf %mul3A_172, %mul3A_182 : vector<1000x128xf32>
    %mul3A_184 = arith.mulf %add3A_183, %select_n3A : vector<1000x128xf32>
    %mul3A_185 = arith.mulf %mul3A_184, %mul3A_184 : vector<1000x128xf32>
    %reduce_sum3A_186 = arith.constant dense<0.000000e+00> : vector<1000xf32>
    %reduce_sum3A_187 = vector.multi_reduction <add>, %mul3A_185, %reduce_sum3A_186 [1] : vector<1000x128xf32> to vector<1000xf32>
    %broadcast_in_dim3A_188 = vector.shape_cast %reduce_sum3A_187 : vector<1000xf32> to vector<1000x1xf32>
    %jit3A_189 = arith.constant 9.99999971E-10 : f32
    %max3A_190 = vector.broadcast %jit3A_189 : f32 to vector<1000x1xf32>
    %max3A_191 = arith.maximumf %max3A_190, %broadcast_in_dim3A_188 : vector<1000x1xf32>
    %sqrt3A_192 = math.sqrt %max3A_191 : vector<1000x1xf32>
    %slice3A_193 = vector.extract_strided_slice %add3A_183 {offsets = [0, 0], sizes = [1000, 1], strides = [1, 1]} : vector<1000x128xf32> to vector<1000x1xf32>
    %jit3A_194 = arith.constant 1.00000012 : f32
    %max3A_195 = vector.broadcast %jit3A_194 : f32 to vector<1000x1xf32>
    %max3A_196 = arith.maximumf %max3A_195, %slice3A_193 : vector<1000x1xf32>
    %sub3A_197 = arith.constant 1.000000e+00 : f32
    %sub3A_198 = vector.broadcast %sub3A_197 : f32 to vector<1000x1xf32>
    %sub3A_199 = arith.subf %max3A_196, %sub3A_198 : vector<1000x1xf32>
    %add3A_200 = arith.constant 1.000000e+00 : f32
    %add3A_201 = vector.broadcast %add3A_200 : f32 to vector<1000x1xf32>
    %add3A_202 = arith.addf %max3A_196, %add3A_201 : vector<1000x1xf32>
    %mul3A_203 = arith.mulf %sub3A_199, %add3A_202 : vector<1000x1xf32>
    %sqrt3A_204 = math.sqrt %mul3A_203 : vector<1000x1xf32>
    %add3A_205 = arith.addf %max3A_196, %sqrt3A_204 : vector<1000x1xf32>
    %log3A_206 = math.log %add3A_205 : vector<1000x1xf32>
    %div3A_207 = arith.divf %log3A_206, %sqrt3A_192 : vector<1000x1xf32>
    %mul3A_208 = vector.broadcast %div3A_207 : vector<1000x1xf32> to vector<1000x128xf32>
    %mul3A_209 = arith.mulf %mul3A_208, %mul3A_184 : vector<1000x128xf32>
    %tanh3A = math.tanh %mul3A_209 : vector<1000x128xf32>
    %mul3A_210 = arith.mulf %tanh3A, %tanh3A : vector<1000x128xf32>
    %reduce_sum3A_211 = arith.constant dense<0.000000e+00> : vector<1000xf32>
    %reduce_sum3A_212 = vector.multi_reduction <add>, %mul3A_210, %reduce_sum3A_211 [1] : vector<1000x128xf32> to vector<1000xf32>
    %broadcast_in_dim3A_213 = vector.shape_cast %reduce_sum3A_212 : vector<1000xf32> to vector<1000x1xf32>
    %jit3A_214 = arith.constant 9.99999971E-10 : f32
    %max3A_215 = vector.broadcast %jit3A_214 : f32 to vector<1000x1xf32>
    %max3A_216 = arith.maximumf %max3A_215, %broadcast_in_dim3A_213 : vector<1000x1xf32>
    %sqrt3A_217 = math.sqrt %max3A_216 : vector<1000x1xf32>
    %exp3A_218 = math.exp %sqrt3A_217 : vector<1000x1xf32>
    %div3A_219 = arith.constant 1.000000e+00 : f32
    %div3A_220 = vector.broadcast %div3A_219 : f32 to vector<1000x1xf32>
    %div3A_221 = arith.divf %div3A_220, %exp3A_218 : vector<1000x1xf32>
    %sub3A_222 = arith.subf %exp3A_218, %div3A_221 : vector<1000x1xf32>
    %mul3A_223 = arith.constant 5.000000e-01 : f32
    %mul3A_224 = vector.broadcast %mul3A_223 : f32 to vector<1000x1xf32>
    %mul3A_225 = arith.mulf %mul3A_224, %sub3A_222 : vector<1000x1xf32>
    %add3A_226 = arith.addf %exp3A_218, %div3A_221 : vector<1000x1xf32>
    %mul3A_227 = arith.constant 5.000000e-01 : f32
    %mul3A_228 = vector.broadcast %mul3A_227 : f32 to vector<1000x1xf32>
    %mul3A_229 = arith.mulf %mul3A_228, %add3A_226 : vector<1000x1xf32>
    %div3A_230 = arith.divf %mul3A_225, %sqrt3A_217 : vector<1000x1xf32>
    %mul3A_231 = vector.broadcast %div3A_230 : vector<1000x1xf32> to vector<1000x128xf32>
    %mul3A_232 = arith.mulf %mul3A_231, %tanh3A : vector<1000x128xf32>
    %mul3A_233 = vector.broadcast %mul3A_229 : vector<1000x1xf32> to vector<1000x128xf32>
    %mul3A_234 = arith.mulf %select_n3A_10, %mul3A_233 : vector<1000x128xf32>
    %add3A_235 = arith.addf %mul3A_232, %mul3A_234 : vector<1000x128xf32>
    %mul3A_236 = arith.mulf %add3A_235, %select_n3A : vector<1000x128xf32>
    %mul3A_237 = arith.mulf %mul3A_236, %mul3A_236 : vector<1000x128xf32>
    %reduce_sum3A_238 = arith.constant dense<0.000000e+00> : vector<1000xf32>
    %reduce_sum3A_239 = vector.multi_reduction <add>, %mul3A_237, %reduce_sum3A_238 [1] : vector<1000x128xf32> to vector<1000xf32>
    %broadcast_in_dim3A_240 = vector.shape_cast %reduce_sum3A_239 : vector<1000xf32> to vector<1000x1xf32>
    %jit3A_241 = arith.constant 9.99999971E-10 : f32
    %max3A_242 = vector.broadcast %jit3A_241 : f32 to vector<1000x1xf32>
    %max3A_243 = arith.maximumf %max3A_242, %broadcast_in_dim3A_240 : vector<1000x1xf32>
    %sqrt3A_244 = math.sqrt %max3A_243 : vector<1000x1xf32>
    %slice3A_245 = vector.extract_strided_slice %add3A_235 {offsets = [0, 0], sizes = [1000, 1], strides = [1, 1]} : vector<1000x128xf32> to vector<1000x1xf32>
    %jit3A_246 = arith.constant 1.00000012 : f32
    %max3A_247 = vector.broadcast %jit3A_246 : f32 to vector<1000x1xf32>
    %max3A_248 = arith.maximumf %max3A_247, %slice3A_245 : vector<1000x1xf32>
    %sub3A_249 = arith.constant 1.000000e+00 : f32
    %sub3A_250 = vector.broadcast %sub3A_249 : f32 to vector<1000x1xf32>
    %sub3A_251 = arith.subf %max3A_248, %sub3A_250 : vector<1000x1xf32>
    %add3A_252 = arith.constant 1.000000e+00 : f32
    %add3A_253 = vector.broadcast %add3A_252 : f32 to vector<1000x1xf32>
    %add3A_254 = arith.addf %max3A_248, %add3A_253 : vector<1000x1xf32>
    %mul3A_255 = arith.mulf %sub3A_251, %add3A_254 : vector<1000x1xf32>
    %sqrt3A_256 = math.sqrt %mul3A_255 : vector<1000x1xf32>
    %add3A_257 = arith.addf %max3A_248, %sqrt3A_256 : vector<1000x1xf32>
    %log3A_258 = math.log %add3A_257 : vector<1000x1xf32>
    %div3A_259 = arith.divf %log3A_258, %sqrt3A_244 : vector<1000x1xf32>
    %mul3A_260 = vector.broadcast %div3A_259 : vector<1000x1xf32> to vector<1000x128xf32>
    %mul3A_261 = arith.mulf %mul3A_260, %mul3A_236 : vector<1000x128xf32>
    %get3A_262 = arith.constant 0 : index
    %get3A_263 = arith.constant 0 : index
    %get3A_264 = vector.load %arg7[%get3A_262, %get3A_263] : memref<128x128xf32, #tpu.memory_space<vmem>>, vector<128x128xf32>
    %dot_general3A_265 = arith.constant dense<0.000000e+00> : vector<1000x128xf32>
    %dot_general3A_266 = tpu.matmul %mul3A_261, %get3A_264, %dot_general3A_265 {dimension_numbers = #tpu.dot_dimension_numbers<[1], [0], [0], [1], [0, 0, 1, 1], [], []>, transpose_lhs_hint = false} : vector<1000x128xf32>, vector<128x128xf32>, vector<1000x128xf32> -> vector<1000x128xf32>
    %get3A_267 = arith.constant 0 : index
    %get3A_268 = arith.constant 0 : index
    %get3A_269 = vector.load %arg8[%get3A_267, %get3A_268] : memref<1x128xf32, #tpu.memory_space<vmem>>, vector<1x128xf32>
    %add3A_270 = vector.broadcast %get3A_269 : vector<1x128xf32> to vector<1000x128xf32>
    %add3A_271 = arith.addf %dot_general3A_266, %add3A_270 : vector<1000x128xf32>
    %mul3A_272 = arith.mulf %add3A_271, %add3A_271 : vector<1000x128xf32>
    %reduce_sum3A_273 = arith.constant dense<0.000000e+00> : vector<1000xf32>
    %reduce_sum3A_274 = vector.multi_reduction <add>, %mul3A_272, %reduce_sum3A_273 [1] : vector<1000x128xf32> to vector<1000xf32>
    %broadcast_in_dim3A_275 = vector.shape_cast %reduce_sum3A_274 : vector<1000xf32> to vector<1000x1xf32>
    %jit3A_276 = arith.constant 9.99999971E-10 : f32
    %max3A_277 = vector.broadcast %jit3A_276 : f32 to vector<1000x1xf32>
    %max3A_278 = arith.maximumf %max3A_277, %broadcast_in_dim3A_275 : vector<1000x1xf32>
    %sqrt3A_279 = math.sqrt %max3A_278 : vector<1000x1xf32>
    %exp3A_280 = math.exp %sqrt3A_279 : vector<1000x1xf32>
    %div3A_281 = arith.constant 1.000000e+00 : f32
    %div3A_282 = vector.broadcast %div3A_281 : f32 to vector<1000x1xf32>
    %div3A_283 = arith.divf %div3A_282, %exp3A_280 : vector<1000x1xf32>
    %sub3A_284 = arith.subf %exp3A_280, %div3A_283 : vector<1000x1xf32>
    %mul3A_285 = arith.constant 5.000000e-01 : f32
    %mul3A_286 = vector.broadcast %mul3A_285 : f32 to vector<1000x1xf32>
    %mul3A_287 = arith.mulf %mul3A_286, %sub3A_284 : vector<1000x1xf32>
    %div3A_288 = arith.divf %mul3A_287, %sqrt3A_279 : vector<1000x1xf32>
    %mul3A_289 = vector.broadcast %div3A_288 : vector<1000x1xf32> to vector<1000x128xf32>
    %mul3A_290 = arith.mulf %mul3A_289, %add3A_271 : vector<1000x128xf32>
    %mul3A_291 = arith.mulf %mul3A_290, %mul3A_290 : vector<1000x128xf32>
    %reduce_sum3A_292 = arith.constant dense<0.000000e+00> : vector<1000xf32>
    %reduce_sum3A_293 = vector.multi_reduction <add>, %mul3A_291, %reduce_sum3A_292 [1] : vector<1000x128xf32> to vector<1000xf32>
    %broadcast_in_dim3A_294 = vector.shape_cast %reduce_sum3A_293 : vector<1000xf32> to vector<1000x1xf32>
    %add3A_295 = arith.constant 1.000000e+00 : f32
    %add3A_296 = vector.broadcast %add3A_295 : f32 to vector<1000x1xf32>
    %add3A_297 = arith.addf %add3A_296, %broadcast_in_dim3A_294 : vector<1000x1xf32>
    %sqrt3A_298 = math.sqrt %add3A_297 : vector<1000x1xf32>
    %mul3A_299 = vector.broadcast %sqrt3A_298 : vector<1000x1xf32> to vector<1000x128xf32>
    %mul3A_300 = arith.mulf %select_n3A_10, %mul3A_299 : vector<1000x128xf32>
    %add3A_301 = arith.addf %mul3A_290, %mul3A_300 : vector<1000x128xf32>
    %mul3A_302 = arith.mulf %add3A_301, %select_n3A : vector<1000x128xf32>
    %mul3A_303 = arith.mulf %mul3A_302, %mul3A_302 : vector<1000x128xf32>
    %reduce_sum3A_304 = arith.constant dense<0.000000e+00> : vector<1000xf32>
    %reduce_sum3A_305 = vector.multi_reduction <add>, %mul3A_303, %reduce_sum3A_304 [1] : vector<1000x128xf32> to vector<1000xf32>
    %broadcast_in_dim3A_306 = vector.shape_cast %reduce_sum3A_305 : vector<1000xf32> to vector<1000x1xf32>
    %jit3A_307 = arith.constant 9.99999971E-10 : f32
    %max3A_308 = vector.broadcast %jit3A_307 : f32 to vector<1000x1xf32>
    %max3A_309 = arith.maximumf %max3A_308, %broadcast_in_dim3A_306 : vector<1000x1xf32>
    %sqrt3A_310 = math.sqrt %max3A_309 : vector<1000x1xf32>
    %slice3A_311 = vector.extract_strided_slice %add3A_301 {offsets = [0, 0], sizes = [1000, 1], strides = [1, 1]} : vector<1000x128xf32> to vector<1000x1xf32>
    %jit3A_312 = arith.constant 1.00000012 : f32
    %max3A_313 = vector.broadcast %jit3A_312 : f32 to vector<1000x1xf32>
    %max3A_314 = arith.maximumf %max3A_313, %slice3A_311 : vector<1000x1xf32>
    %sub3A_315 = arith.constant 1.000000e+00 : f32
    %sub3A_316 = vector.broadcast %sub3A_315 : f32 to vector<1000x1xf32>
    %sub3A_317 = arith.subf %max3A_314, %sub3A_316 : vector<1000x1xf32>
    %add3A_318 = arith.constant 1.000000e+00 : f32
    %add3A_319 = vector.broadcast %add3A_318 : f32 to vector<1000x1xf32>
    %add3A_320 = arith.addf %max3A_314, %add3A_319 : vector<1000x1xf32>
    %mul3A_321 = arith.mulf %sub3A_317, %add3A_320 : vector<1000x1xf32>
    %sqrt3A_322 = math.sqrt %mul3A_321 : vector<1000x1xf32>
    %add3A_323 = arith.addf %max3A_314, %sqrt3A_322 : vector<1000x1xf32>
    %log3A_324 = math.log %add3A_323 : vector<1000x1xf32>
    %div3A_325 = arith.divf %log3A_324, %sqrt3A_310 : vector<1000x1xf32>
    %mul3A_326 = vector.broadcast %div3A_325 : vector<1000x1xf32> to vector<1000x128xf32>
    %mul3A_327 = arith.mulf %mul3A_326, %mul3A_302 : vector<1000x128xf32>
    %tanh3A_328 = math.tanh %mul3A_327 : vector<1000x128xf32>
    %mul3A_329 = arith.mulf %tanh3A_328, %tanh3A_328 : vector<1000x128xf32>
    %reduce_sum3A_330 = arith.constant dense<0.000000e+00> : vector<1000xf32>
    %reduce_sum3A_331 = vector.multi_reduction <add>, %mul3A_329, %reduce_sum3A_330 [1] : vector<1000x128xf32> to vector<1000xf32>
    %broadcast_in_dim3A_332 = vector.shape_cast %reduce_sum3A_331 : vector<1000xf32> to vector<1000x1xf32>
    %jit3A_333 = arith.constant 9.99999971E-10 : f32
    %max3A_334 = vector.broadcast %jit3A_333 : f32 to vector<1000x1xf32>
    %max3A_335 = arith.maximumf %max3A_334, %broadcast_in_dim3A_332 : vector<1000x1xf32>
    %sqrt3A_336 = math.sqrt %max3A_335 : vector<1000x1xf32>
    %exp3A_337 = math.exp %sqrt3A_336 : vector<1000x1xf32>
    %div3A_338 = arith.constant 1.000000e+00 : f32
    %div3A_339 = vector.broadcast %div3A_338 : f32 to vector<1000x1xf32>
    %div3A_340 = arith.divf %div3A_339, %exp3A_337 : vector<1000x1xf32>
    %sub3A_341 = arith.subf %exp3A_337, %div3A_340 : vector<1000x1xf32>
    %mul3A_342 = arith.constant 5.000000e-01 : f32
    %mul3A_343 = vector.broadcast %mul3A_342 : f32 to vector<1000x1xf32>
    %mul3A_344 = arith.mulf %mul3A_343, %sub3A_341 : vector<1000x1xf32>
    %add3A_345 = arith.addf %exp3A_337, %div3A_340 : vector<1000x1xf32>
    %mul3A_346 = arith.constant 5.000000e-01 : f32
    %mul3A_347 = vector.broadcast %mul3A_346 : f32 to vector<1000x1xf32>
    %mul3A_348 = arith.mulf %mul3A_347, %add3A_345 : vector<1000x1xf32>
    %div3A_349 = arith.divf %mul3A_344, %sqrt3A_336 : vector<1000x1xf32>
    %mul3A_350 = vector.broadcast %div3A_349 : vector<1000x1xf32> to vector<1000x128xf32>
    %mul3A_351 = arith.mulf %mul3A_350, %tanh3A_328 : vector<1000x128xf32>
    %mul3A_352 = vector.broadcast %mul3A_348 : vector<1000x1xf32> to vector<1000x128xf32>
    %mul3A_353 = arith.mulf %select_n3A_10, %mul3A_352 : vector<1000x128xf32>
    %add3A_354 = arith.addf %mul3A_351, %mul3A_353 : vector<1000x128xf32>
    %swap3A = arith.constant 0 : index
    %swap3A_355 = arith.constant 0 : index
    %swap3A_356 = vector.load %arg9[%swap3A, %swap3A_355] : memref<1000x128xf32, #tpu.memory_space<vmem>>, vector<1000x128xf32>
    tpu.vector_store %arg9[%swap3A, %swap3A_355], %add3A_354 {strides = array<i32>} : memref<1000x128xf32, #tpu.memory_space<vmem>>, vector<1000x128xf32>,
    return
  }
  func.func @transform_0(%arg0: i32) -> (i32, i32) {
    %c0_i32 = arith.constant 0 : i32
    %c0_i32_0 = arith.constant 0 : i32
    %c0_i32_1 = arith.constant 0 : i32
    return %c0_i32, %c0_i32_0 : i32, i32
  }
  func.func @transform_1(%arg0: i32) -> (i32, i32) {
    %c0_i32 = arith.constant 0 : i32
    %c0_i32_0 = arith.constant 0 : i32
    return %arg0, %c0_i32 : i32, i32
  }
  func.func @transform_2(%arg0: i32) -> (i32, i32) {
    %c0_i32 = arith.constant 0 : i32
    %c0_i32_0 = arith.constant 0 : i32
    return %arg0, %c0_i32 : i32, i32
  }
  func.func @transform_3(%arg0: i32) -> (i32, i32) {
    %c0_i32 = arith.constant 0 : i32
    %c0_i32_0 = arith.constant 0 : i32
    return %arg0, %c0_i32 : i32, i32
  }
  func.func @transform_4(%arg0: i32) -> (i32, i32) {
    %c0_i32 = arith.constant 0 : i32
    %c0_i32_0 = arith.constant 0 : i32
    %c0_i32_1 = arith.constant 0 : i32
    return %c0_i32, %c0_i32_0 : i32, i32
  }
  func.func @transform_5(%arg0: i32) -> (i32, i32) {
    %c0_i32 = arith.constant 0 : i32
    %c0_i32_0 = arith.constant 0 : i32
    %c0_i32_1 = arith.constant 0 : i32
    return %c0_i32, %c0_i32_0 : i32, i32
  }
  func.func @transform_6(%arg0: i32) -> (i32, i32) {
    %c0_i32 = arith.constant 0 : i32
    %c0_i32_0 = arith.constant 0 : i32
    %c0_i32_1 = arith.constant 0 : i32
    return %c0_i32, %c0_i32_0 : i32, i32
  }
  func.func @transform_7(%arg0: i32) -> (i32, i32) {
    %c0_i32 = arith.constant 0 : i32
    %c0_i32_0 = arith.constant 0 : i32
    %c0_i32_1 = arith.constant 0 : i32
    return %c0_i32, %c0_i32_0 : i32, i32
  }
  func.func @transform_8(%arg0: i32) -> (i32, i32) {
    %c0_i32 = arith.constant 0 : i32
    %c0_i32_0 = arith.constant 0 : i32
    return %arg0, %c0_i32 : i32, i32
  }
}

</mosaic_0001>

<sc_bundles>
// kernel: kernel.6.cloned.1.call-start
scs
__scs_entry_jumppad:
0x0: {  	(pc) =	sbr.rel $0x88, $3  }
0x1: {  	(tag) =	ssettag $0x0;
	lr =	simm.s32 $0x1  }
0x2: {  	[smem:$0x3F9A] =	sst lr;
	_ =	strace $0xD0000000  }
0x3: {  	_ = 	snop  }
0x4: {  	_ = 	snop  }
0x5: {  	_ = 	snop  }
0x6: {  	_ = 	snop  }
0x7: {  	_ = 	snop  }
__scs_overlays_trampoline_lowered:
0x8: {  	[smem:$0x3FA9] =	sst s0  }
0x9: {  	[smem:$0x3FAA] =	sst s1  }
0xa: {  	[smem:$0x3FAB] =	sst s2  }
0xb: {  	[smem:$0x3FAC] =	sst s3  }
0xc: {  	[smem:$0x3FAD] =	sst s4  }
0xd: {  	[smem:$0x3FAE] =	sst s5  }
0xe: {  	[smem:$0x3FAF] =	sst s6  }
0xf: {  	[smem:$0x3FB0] =	sst s7  }
0x10: {  	[smem:$0x3FB1] =	sst s8  }
0x11: {  	[smem:$0x3FB2] =	sst s9;
	s0 =	simm.s32 @!p0 $0x0  }
0x12: {  	s1 =	sld [smem:$0x3F98];
	s0 =	simm.s32 @p0 $0x1  }
0x13: {  	[smem:$0x3FB3] =	sst s0;
	s0 =	simm.s32 @!p1 $0x0  }
0x14: {  	s2 =	sld [smem:$0x3F97];
	s0 =	simm.s32 @p1 $0x1  }
0x15: {  	[smem:$0x3FB4] =	sst s0;
	s0 =	simm.s32 @!p2 $0x0  }
0x16: {  	s3 =	sld [smem:$0x3FDB];
	s0 =	simm.s32 @p2 $0x1  }
0x17: {  	s4 =	simm.s32 $0x1BF5;
	[smem:$0x3FB6] =	sst s0  }
0x18: {  	s0 =	sld [smem:$0x3F99];
	_ =	swait.ge [sflag:s4], $0x0  }
0x19: {  	s7 =	sld [smem:$0x3F9A]  }
0x1a: {  	s8 =	sadd.s32 $0xFFFFE003, lr  }
0x1b: {  	s9 =	sadd.s32 $0xFFFFFEF7, lr;
	s5 =	simm.s32 $0xFFFFFFFF;
	p2 =	slt.u32 s8, $0xFFFFF086  }
0x1c: {  	p1 =	slt.u32 s9, $0xF7A;
	s5 =	simm.s32 @!p2 $0x0  }
0x1d: {  	s5 =	simm.s32 @p1 $0x1;
	p0 =	seq.s32 s7, s2  }
0x1e: {  	s7 =	smul.u32 @!p0 $0xF7A, s2;
	p2 =	seq.s32 @!p0 s5, $0x0  }
0x1f: {  	s9 =	smul.u32 $0xF7A, s1;
	s8 =	simm.s32 @!p0 $0x1BF5;
	p2 =	por !p2, p0  }
0x20: {  	[sflag:s8] =	ssyncset.s32 @!p0 $0xFFFFF086;
	s6 =	sadd.s32 @!p0 s3, s7;
	s7 =	simm.s32 @!p0 $0x108  }
0x21: {  	s3 =	sadd.s32 s3, s9;
	s6 =	sadd.s32 @!p0 $0x88, s6;
	s7 =	simm.s32 @p2 $0x1082  }
0x22: {  	[simem:s7], [sflag:s8] =	dma.local @!p0 [hbm:s6], $0xF7A  }
0x23: {  	s9 =	sor.u32 $0xD0000000, s2;
	s6 =	simm.s32 $0x108;
	_ =	swait.ge @!p0 [sflag:s8], $0x0  }
0x24: {  	s3 =	sadd.s32 $0x88, s3;
	s6 =	simm.s32 @!p1 $0x1082;
	[sflag:s4] =	ssyncset.s32 $0xFFFFF086  }
0x25: {  	[simem:s6], [sflag:s4] =	dma.local [hbm:s3], $0xF7A  }
0x26: {  	[smem:$0x3F9A] =	sst s1;
	(tag) =	ssettag s2;
	_ =	strace s9  }
0x27: {  	s1 =	sld [smem:$0x3FAA]  }
0x28: {  	s2 =	sld [smem:$0x3FAB]  }
0x29: {  	s4 =	sld [smem:$0x3FAD]  }
0x2a: {  	p0 =	seq.s32 s5, $0x0;
	s5 =	sld [smem:$0x3FAE]  }
0x2b: {  	s6 =	sld [smem:$0x3FAF]  }
0x2c: {  	s7 =	sld [smem:$0x3FB0]  }
0x2d: {  	s3 =	simm.s32 $0x108;
	s8 =	sld [smem:$0x3FB1]  }
0x2e: {  	s3 =	simm.s32 @!p0 $0x1082;
	s9 =	sld [smem:$0x3FB2]  }
0x2f: {  	lr =	sadd.s32 s0, s3;
	s0 =	sld [smem:$0x3FA9]  }
0x30: {  	s3 =	sld [smem:$0x3FAC]  }
0x31: {  	[smem:$0x3FB5] =	sst s10  }
0x32: {  	s10 =	sld [smem:$0x3FB3];
	_ =	sdelay $0x3  }
0x33: {  	p0 =	seq.s32 s10, $0x1;
	s10 =	sld [smem:$0x3FB5];
	_ =	sdelay $0x3  }
0x34: {  	[smem:$0x3FB5] =	sst s10  }
0x35: {  	s10 =	sld [smem:$0x3FB4];
	_ =	sdelay $0x3  }
0x36: {  	p1 =	seq.s32 s10, $0x1;
	s10 =	sld [smem:$0x3FB5];
	_ =	sdelay $0x3  }
0x37: {  	[smem:$0x3FB5] =	sst s10  }
0x38: {  	s10 =	sld [smem:$0x3FB6]  }
0x39: {  	_ = 	snop;
	(pc) =	sbr.ind lr, $3  }
0x3a: {  	_ = 	snop  }
0x3b: {  	_ = 	snop  }
0x3c: {  	p2 =	seq.s32 s10, $0x1;
	s10 =	sld [smem:$0x3FB5]  }
0x3d: {  	_ =	shalt  }
0x3e: {  	_ =	shalt  }
0x3f: {  	_ =	shalt  }
0x40: {  	_ =	shalt  }
0x41: {  	_ =	shalt  }
0x42: {  	_ =	shalt  }
0x43: {  	_ =	shalt  }
0x44: {  	_ =	shalt  }
0x45: {  	_ =	shalt  }
0x46: {  	_ =	shalt  }
0x47: {  	_ =	shalt  }
0x48: {  	_ =	shalt  }
0x49: {  	_ =	shalt  }
0x4a: {  	_ =	shalt  }
0x4b: {  	_ =	shalt  }
0x4c: {  	_ =	shalt  }
0x4d: {  	_ =	shalt  }
0x4e: {  	_ =	shalt  }
0x4f: {  	_ =	shalt  }
0x50: {  	_ =	shalt  }
0x51: {  	_ =	shalt  }
0x52: {  	_ =	shalt  }
0x53: {  	_ =	shalt  }
0x54: {  	_ =	shalt  }
0x55: {  	_ =	shalt  }
0x56: {  	_ =	shalt  }
0x57: {  	_ =	shalt  }
0x58: {  	_ =	shalt  }
0x59: {  	_ =	shalt  }
0x5a: {  	_ =	shalt  }
0x5b: {  	_ =	shalt  }
0x5c: {  	_ =	shalt  }
0x5d: {  	_ =	shalt  }
0x5e: {  	_ =	shalt  }
0x5f: {  	_ =	shalt  }
0x60: {  	_ =	shalt  }
0x61: {  	_ =	shalt  }
0x62: {  	_ =	shalt  }
0x63: {  	_ =	shalt  }
0x64: {  	_ =	shalt  }
0x65: {  	_ =	shalt  }
0x66: {  	_ =	shalt  }
0x67: {  	_ =	shalt  }
0x68: {  	_ =	shalt  }
0x69: {  	_ =	shalt  }
0x6a: {  	_ =	shalt  }
0x6b: {  	_ =	shalt  }
0x6c: {  	_ =	shalt  }
0x6d: {  	_ =	shalt  }
0x6e: {  	_ =	shalt  }
0x6f: {  	_ =	shalt  }
0x70: {  	_ =	shalt  }
0x71: {  	_ =	shalt  }
0x72: {  	_ =	shalt  }
0x73: {  	_ =	shalt  }
0x74: {  	_ =	shalt  }
0x75: {  	_ =	shalt  }
0x76: {  	_ =	shalt  }
0x77: {  	_ =	shalt  }
0x78: {  	_ =	shalt  }
0x79: {  	_ =	shalt  }
0x7a: {  	_ =	shalt  }
0x7b: {  	_ =	shalt  }
0x7c: {  	_ =	shalt  }
0x7d: {  	_ =	shalt  }
0x7e: {  	_ =	shalt  }
0x7f: {  	_ =	shalt  }
0x80: {  	_ =	shalt  }
0x81: {  	_ =	shalt  }
0x82: {  	_ =	shalt  }
0x83: {  	_ =	shalt  }
0x84: {  	_ =	shalt  }
0x85: {  	_ =	shalt  }
0x86: {  	_ =	shalt  }
0x87: {  	_ =	shalt  }
.Lfunc_end0:
.L_simem_size_0:
called_computation_lowered:
.L_overlay_start_0:
0x88: {  	s2 =	sld [smem:$0x3FD9]  }
0x89: {  	s3 =	sld [smem:$0x3FFE];
	_ =	sdelay $0x1  }
0x8a: {  	s1 =	srdreg.scid  }
0x8b: {  	s0 =	sand.u32 $0x1, s1  }
0x8c: {  	s17 =	sshll.u32 s0, $0xA;
	s2 =	sadd.s32 s3, s2  }
0x8d: {  	s2 =	sadd.s32 s2, s17  }
0x8e: {  	[smem:$0x3FC1] =	sst s2  }
0x8f: {  	_ = 	snop  }
0x90: {  	s2 =	sld [smem:$0x3FD0];
	(tm) =	ssettm $0x1  }
0x91: {  	s18 =	sld [smem:$0x3FFB];
	_ =	sdelay $0x3  }
0x92: {  	_ =	strace s18  }
0x93: {  	s3 =	sld [smem:$0x3FFC];
	_ =	sdelay $0x3  }
0x94: {  	_ =	strace s3  }
0x95: {  	s3 =	sld [smem:$0x3FFD];
	_ =	sdelay $0x3  }
0x96: {  	_ =	strace s3  }
0x97: {  	_ =	strace $0x8FFFFFFF  }
0x98: {  	s19 =	sld [smem:$0x3FDB];
	_ =	sdelay $0x1  }
0x99: {  	s4 =	simm.s32 $_scs_section_size  }
0x9a: {  	s5 =	simm.s32 $_size__tile_overlayer_lowered;
	s6 =	simm.s32 $_tile_overlayer_lowered  }
0x9b: {  	s22 =	simm.s32 $0x1BFF;
	s21 =	sshll.u32 s6, $0x1;
	s3 =	sadd.s32 s4, s19  }
0x9c: {  	s7 =	simm.s32 $0x0;
	s20 =	sshll.u32 s5, $0x1;
	s5 =	sadd.s32 s21, s3  }
0x9d: {  	[timem:s7], [sflag:s22] =	dma.local [hbm:s5], s20  }
0x9e: {  	_ =	swait.ge [sflag:s22], s20  }
0x9f: {  	s4 =	ssub.s32 $0x0, s20;
	[sflag:s22] =	ssyncset.done $0x0  }
0xa0: {  	[sflag:s22] =	ssyncadd.s32 s4;
	_ =	sdelay $0x1  }
0xa1: {  	s23 =	simm.s32 $0x1B8B  }
0xa2: {  	_ =	swait.ge [sflag:s23], $0x1  }
0xa3: {  	[sflag:s23] =	ssyncset.done $0x0  }
0xa4: {  	s25 =	simm.s32 $0x1B8E;
	s24 =	sld [smem:$0x3FFE];
	[sflag:s23] =	ssyncadd.s32 $0xFFFFFFFF  }
0xa5: {  	s26 =	simm.s32 $execute0_lowered;
	[smem:$0x3FD2] =	sst s25  }
0xa6: {  	s5 =	sshll.u32 s26, $0x1;
	_ =	strace $0x80000046;
	[dreg:$0x1] =	wrdreg $0xFFFFFFFF  }
0xa7: {  	s28 =	simm.s32 $_size_execute0_lowered;
	s3 =	sadd.s32 s3, s5;
	[dreg:$0x0] =	wrdreg $0x0  }
0xa8: {  	s5 =	sshll.u32 s28, $0x1;
	[dreg:$0x2] =	wrdreg s3  }
0xa9: {  	[dreg:$0x3] =	wrdreg s5  }
0xaa: {  	[dreg:$0x4] =	wrdreg $0xC0  }
0xab: {  	_ =	task [dreg:s7], $0x5FFFF  }
0xac: {  	[dreg:$0x1] =	wrdreg $0xFFFFFFFF  }
0xad: {  	[dreg:$0x0] =	wrdreg $0x60  }
0xae: {  	[dreg:$0x2] =	wrdreg s2  }
0xaf: {  	[dreg:$0x3] =	wrdreg s24  }
0xb0: {  	[dreg:$0x4] =	wrdreg $0x82000  }
0xb1: {  	[dreg:$0x5] =	wrdreg $0x9  }
0xb2: {  	_ =	task.clear_ibuf [dreg:s7], $0x6FFFF;
	_ =	strace $0x90000046  }
0xb3: {  	s29 =	simm.s32 $0x9;
	_ =	strace $0x80000048  }
0xb4: {  	_ =	swait.ge [sflag:s29], $0x1  }
0xb5: {  	[sflag:s29] =	ssyncadd.s32 $0xFFFFFFFF  }
0xb6: {  	_ =	strace $0x90000048  }
0xb7: {  	_ =	sfence  }
0xb8: {  	s30 =	sld [smem:$0x0];
	_ =	sdelay $0x2  }
0xb9: {  	s31 =	sshll.u32 s1, $0xD;
	s1 =	sshrl.u32 s1, $0x2  }
0xba: {  	s3 =	sand.u32 $0x4000, s31;
	s1 =	sadd.s32 s1, s30  }
0xbb: {  	s0 =	sor.u32 s3, s0;
	s1 =	sshll.u32 s1, $0x11  }
0xbc: {  	s0 =	sor.u32 s1, s0  }
0xbd: {  	s0 =	sadd.s32 $0x8F2B, s0  }
0xbe: {  	[sflag:s0] =	ssyncadd.remote.s32 $0x1  }
0xbf: {  	_ =	sfence.sel $0xFFFF  }
0xc0: {  	[dreg:$0x0] =	wrdreg $0xFFFFFFFF;
	(pc) =	sbr.abs _section_cstart, $3  }
0xc1: {  	[dreg:$0x1] =	wrdreg $0xFFFFFFFF  }
0xc2: {  	_ =	task.clear_ibuf [dreg:s7], $0x2FFFF;
	_ =	strace $0x9FFFFFFF  }
0xc3: {  	(tm) =	ssettm $0x7FFFFFFF  }
tec
execute0_lowered:
.L_overlay_start_1:
0x0: {  	(tag) =	ssettag $0x1  }
0x1: {  	s1 =	rddreg [dreg:$0x0]  }
0x2: {  	s0 =	rddreg [dreg:$0x1]  }
0x3: {  	s3 =	rddreg [dreg:$0x2]  }
0x4: {  	s4 =	simm.s32 $0x0;
	s14 =	stileid.u32;
	s2 =	srdreg.scid  }
0x5: {  	s28 =	simm.s32 $0x5;
	s29 =	simm.s32 $0x3;
	s7 =	smul.u32 $0x2800, s14  }
0x6: {  	s30 =	simm.s32 $0x2;
	s31 =	simm.s32 $0x6;
	s9 =	smul.u32 $0x7B, s14  }
0x7: {  	[smem:$0x7FF] =	sst s4;
	s2 =	sand.u32 $0x1, s2;
	s16 =	smul.u32 $0x23, s14  }
0x8: {  	s5 =	sadd.s32 $0x1200, s0;
	s6 =	sadd.s32 $0xB000, s0;
	s12 =	smul.u32 $0x50000, s14  }
0x9: {  	s20 =	sshll.u32 s14, $0x6;
	_ =	strace $0x80000047;
	s8 =	smul.u32 $0x28000, s2  }
0xa: {  	s11 =	ssub.s32 $0x2, s2;
	p0 =	seq.s32 s2, $0x0;
	s10 =	sadd.s32 s7, s0  }
0xb: {  	s13 =	sshrl.u32 s11, $0x1;
	s18 =	sshrl.u32 s12, $0x2;
	s12 =	simm.s32 $0x7A  }
0xc: {  	s7 =	sadd.s32 s7, s8;
	s17 =	ssub.s32 s11, s13;
	s8 =	sadd.s32 s18, s3  }
0xd: {  	s19 =	sadd.s32 $0x33000, s10;
	s12 =	simm.s32 @!p0 $0x22;
	s0 =	sadd.s32 s7, s0  }
0xe: {  	s7 =	sadd.s32 $0x7B0, s16;
	[dreg:$0x4] =	wrdreg s19;
	s26 =	sshrl.u32 s12, $0x1  }
0xf: {  	s16 =	smax.u32 s17, $0x1;
	s18 =	sshrl.u32 s8, $0x3;
	s19 =	simm.s32 $0x7  }
0x10: {  	s7 =	smov.u32 @p0 s9;
	s9 =	sor.u32 $0x1C07, s20;
	s15 =	sadd.s32 $0x5B000, s0  }
0x11: {  	s17 =	sadd.s32 $0xFFFFFFFF, s26;
	s20 =	simm.s32 $0x100;
	s21 =	sshll.u32 s7, $0x4  }
0x12: {  	s26 =	simm.s32 $0x1;
	s0 =	simm.s32 $0x0;
	s22 =	sadd.s32 s5, s21  }
0x13: {  	s23 =	sadd.s32 $0x10, s21;
	s24 =	sadd.s32 s1, s21;
	[dreg:$0x5] =	wrdreg s22  }
0x14: {  	s21 =	simm.s32 $0x180;
	[dreg:$0x6] =	wrdreg s24;
	s25 =	sadd.s32 s5, s23  }
0x15: {  	s14 =	sadd.s32 s1, s23;
	s22 =	simm.s32 $0x80;
	s23 =	simm.s32 $0x200  }
0x16: {  	s24 =	simm.s32 $0x4;
	[dreg:$0x7] =	wrdreg s25;
	s25 =	simm.s32 $0x4200  }
.LBB2_1:
0x17: {  	s2 =	rddreg [dreg:$0x4]  }
0x18: {  	[spmem:s18], [sflag:s9] =	dma.local [hbm:s2], $0x2800  }
0x19: {  	_ =	swait.ge [sflag:s19], $0x2800  }
0x1a: {  	[sflag:s19] =	ssyncset.done $0x0  }
0x1b: {  	[sflag:s19] =	ssyncadd.s32 $0xFFFFD800  }
0x1c: {  	[bflag:$0x0] =	sbarrier.arrive $0xFFFF  }
0x1d: {  	s13 =	rddreg [dreg:$0x5]  }
0x1e: {  	[tilespmem:s20], [sflag:$0x3] =	stream.linear.gather [hbm4b:s13+s4], $0x80, $0x38;
	[tilespmem:$0x1C200] =	vst v63  }
0x1f: {  	s8 =	rddreg [dreg:$0x6]  }
0x20: {  	[tilespmem:s4], [sflag:$0x5] =	stream.linear.gather [hbm4b:s8+s4], $0x80, $0x38;
	[tilespmem:$0x1C200] =	vst v63  }
0x21: {  	s10 =	rddreg [dreg:$0x7]  }
0x22: {  	[tilespmem:s21], [sflag:$0x4] =	stream.linear.gather [hbm4b:s10+s4], $0x80, $0x38;
	[tilespmem:$0x1C200] =	vst v63  }
0x23: {  	_ = 	snop  }
0x24: {  	[tilespmem:s22], [sflag:$0x6] =	stream.linear.gather [hbm4b:s14+s4], $0x80, $0x38;
	[tilespmem:$0x1C200] =	vst v63  }
0x25: {  	_ =	swait.ge [sflag:s29], $0x80  }
0x26: {  	[sflag:s29] =	ssyncset.done $0x0  }
0x27: {  	[sflag:s29] =	ssyncadd.s32 $0xFFFFFF80  }
0x28: {  	[tilespmem:s23], [sflag:$0x1] =	stream.indirect.gather [hbm4b:s6+s22], $0x80, s20, s22, $0xb8;
	[tilespmem:$0x1C200] =	vst v63  }
0x29: {  	_ =	swait.ge [sflag:s24], $0x80  }
0x2a: {  	[sflag:s24] =	ssyncset.done $0x0  }
0x2b: {  	[sflag:s24] =	ssyncadd.s32 $0xFFFFFF80  }
0x2c: {  	[tilespmem:s25], [sflag:$0x2] =	stream.indirect.gather [hbm4b:s6+s22], $0x80, s21, s22, $0xb8;
	[tilespmem:$0x1C200] =	vst v63  }
0x2d: {  	_ =	swait.ge [sflag:s26], $0x4000  }
0x2e: {  	[sflag:s26] =	ssyncset.done $0x0  }
0x2f: {  	p0 =	sgt.s32 s12, $0x2;
	[sflag:s26] =	ssyncadd.s32 $0xFFFFC000  }
0x30: {  	s2 =	simm.s32 $0x2;
	s8 =	smov.u32 s12;
	_ =	swait.ge [sflag:s28], $0x80  }
0x31: {  	s8 =	smov.u32 @p0 s2;
	[sflag:s28] =	ssyncset.done $0x0  }
0x32: {  	s2 =	sadd.s32 s7, s8;
	[sflag:s28] =	ssyncadd.s32 $0xFFFFFF80  }
0x33: {  	[spmem:s3] =	stream.indirect.scatter.add.f32 [tilespmem:s23], [sflag:$0x7], $0x80, s4, s22, $0xb8;
	[tilespmem:$0x1C200] =	vst v63  }
0x34: {  	s2 =	sshll.u32 s2, $0x4;
	_ =	swait.ge [sflag:s19], $0x4000  }
0x35: {  	s2 =	sand.u32 $0x1FFFFFF0, s2;
	[sflag:s19] =	ssyncset.done $0x0  }
0x36: {  	s11 =	sadd.s32 s5, s2;
	[sflag:s19] =	ssyncadd.s32 $0xFFFFC000  }
0x37: {  	[tilespmem:s20], [sflag:$0x3] =	stream.linear.gather [hbm4b:s11+s4], $0x80, $0x38;
	[tilespmem:$0x1C200] =	vst v63  }
0x38: {  	s2 =	sadd.s32 s1, s2  }
0x39: {  	[tilespmem:s4], [sflag:$0x5] =	stream.linear.gather [hbm4b:s2+s4], $0x80, $0x38;
	[tilespmem:$0x1C200] =	vst v63  }
0x3a: {  	_ =	swait.ge [sflag:s29], $0x80  }
0x3b: {  	[sflag:s29] =	ssyncset.done $0x0  }
0x3c: {  	[sflag:s29] =	ssyncadd.s32 $0xFFFFFF80  }
0x3d: {  	[tilespmem:s23], [sflag:$0x1] =	stream.indirect.gather [hbm4b:s6+s22], $0x80, s20, s22, $0xb8;
	[tilespmem:$0x1C200] =	vst v63  }
0x3e: {  	_ =	swait.ge [sflag:s30], $0x4000  }
0x3f: {  	[sflag:s30] =	ssyncset.done $0x0  }
0x40: {  	[sflag:s30] =	ssyncadd.s32 $0xFFFFC000  }
0x41: {  	p0 =	sgt.s32 s12, $0x3;
	s2 =	smov.u32 s12;
	_ =	swait.ge [sflag:s31], $0x80  }
0x42: {  	s2 =	smov.u32 @p0 s29;
	[sflag:s31] =	ssyncset.done $0x0  }
0x43: {  	p0 =	sne.s32 s17, $0x1;
	s2 =	sadd.s32 s7, s2;
	[sflag:s31] =	ssyncadd.s32 $0xFFFFFF80  }
0x44: {  	[spmem:s3] =	stream.indirect.scatter.add.f32 [tilespmem:s25], [sflag:$0x7], $0x80, s22, s22, $0xb8;
	[tilespmem:$0x1C200] =	vst v63  }
.Ltmp0:
0x45: {  	s2 =	sshll.u32 s2, $0x4;
	(pc) =	sbr.rel @!p0 .LBB2_3-.Ltmp0, $4  }
0x46: {  	s2 =	sand.u32 $0x1FFFFFF0, s2;
	_ =	swait.ge [sflag:s19], $0x4000  }
0x47: {  	s8 =	sadd.s32 $0xFFFFFFFF, s17;
	s13 =	sadd.s32 s5, s2;
	[sflag:s19] =	ssyncset.done $0x0  }
0x48: {  	s11 =	sadd.s32 s1, s2;
	s2 =	simm.s32 $0x3;
	[sflag:s19] =	ssyncadd.s32 $0xFFFFC000  }
0x49: {  	[tilespmem:s21], [sflag:$0x4] =	stream.linear.gather [hbm4b:s13+s4], $0x80, $0x38;
	[tilespmem:$0x1C200] =	vst v63  }
.LBB2_2:
0x4a: {  	p0 =	sne.s32 s8, $0x1;
	s8 =	sadd.s32 $0xFFFFFFFF, s8;
	s2 =	sadd.s32 $0x2, s2  }
0x4b: {  	[tilespmem:s22], [sflag:$0x6] =	stream.linear.gather [hbm4b:s11+s4], $0x80, $0x38;
	[tilespmem:$0x1C200] =	vst v63  }
0x4c: {  	_ =	swait.ge [sflag:s24], $0x80  }
0x4d: {  	[sflag:s24] =	ssyncset.done $0x0  }
0x4e: {  	[sflag:s24] =	ssyncadd.s32 $0xFFFFFF80  }
0x4f: {  	[tilespmem:s25], [sflag:$0x2] =	stream.indirect.gather [hbm4b:s6+s22], $0x80, s21, s22, $0xb8;
	[tilespmem:$0x1C200] =	vst v63  }
0x50: {  	_ =	swait.ge [sflag:s26], $0x4000  }
0x51: {  	[sflag:s26] =	ssyncset.done $0x0  }
0x52: {  	[sflag:s26] =	ssyncadd.s32 $0xFFFFC000  }
0x53: {  	s11 =	sadd.s32 $0xFFFFFFFF, s2;
	_ =	swait.ge [sflag:s28], $0x80  }
0x54: {  	s10 =	smov.u32 s12;
	p1 =	slt.s32 s11, s12;
	[sflag:s28] =	ssyncset.done $0x0  }
0x55: {  	s10 =	smov.u32 @p1 s11;
	[sflag:s28] =	ssyncadd.s32 $0xFFFFFF80  }
0x56: {  	[spmem:s3] =	stream.indirect.scatter.add.f32 [tilespmem:s23], [sflag:$0x7], $0x80, s4, s22, $0xb8;
	[tilespmem:$0x1C200] =	vst v63  }
0x57: {  	s10 =	sadd.s32 s7, s10;
	_ =	swait.ge [sflag:s19], $0x4000  }
0x58: {  	s10 =	sshll.u32 s10, $0x4;
	[sflag:s19] =	ssyncset.done $0x0  }
0x59: {  	s10 =	sand.u32 $0x1FFFFFF0, s10;
	[sflag:s19] =	ssyncadd.s32 $0xFFFFC000  }
0x5a: {  	s11 =	sadd.s32 s5, s10;
	s10 =	sadd.s32 s1, s10  }
0x5b: {  	[tilespmem:s20], [sflag:$0x3] =	stream.linear.gather [hbm4b:s11+s4], $0x80, $0x38;
	[tilespmem:$0x1C200] =	vst v63  }
0x5c: {  	_ = 	snop  }
0x5d: {  	[tilespmem:s4], [sflag:$0x5] =	stream.linear.gather [hbm4b:s10+s4], $0x80, $0x38;
	[tilespmem:$0x1C200] =	vst v63  }
0x5e: {  	_ =	swait.ge [sflag:s29], $0x80  }
0x5f: {  	[sflag:s29] =	ssyncset.done $0x0  }
0x60: {  	[sflag:s29] =	ssyncadd.s32 $0xFFFFFF80  }
0x61: {  	[tilespmem:s23], [sflag:$0x1] =	stream.indirect.gather [hbm4b:s6+s22], $0x80, s20, s22, $0xb8;
	[tilespmem:$0x1C200] =	vst v63  }
0x62: {  	_ =	swait.ge [sflag:s30], $0x4000  }
0x63: {  	[sflag:s30] =	ssyncset.done $0x0  }
0x64: {  	[sflag:s30] =	ssyncadd.s32 $0xFFFFC000  }
0x65: {  	p1 =	slt.s32 s2, s12;
	s10 =	smov.u32 s12;
	_ =	swait.ge [sflag:s31], $0x80  }
0x66: {  	s10 =	smov.u32 @p1 s2;
	[sflag:s31] =	ssyncset.done $0x0  }
0x67: {  	s10 =	sadd.s32 s7, s10;
	[sflag:s31] =	ssyncadd.s32 $0xFFFFFF80  }
0x68: {  	[spmem:s3] =	stream.indirect.scatter.add.f32 [tilespmem:s25], [sflag:$0x7], $0x80, s22, s22, $0xb8;
	[tilespmem:$0x1C200] =	vst v63  }
.Ltmp1:
0x69: {  	_ = 	snop;
	(pc) =	sbr.rel @p0 .LBB2_2-.Ltmp1, $4  }
0x6a: {  	s10 =	sshll.u32 s10, $0x4;
	_ =	swait.ge [sflag:s19], $0x4000  }
0x6b: {  	s10 =	sand.u32 $0x1FFFFFF0, s10;
	[sflag:s19] =	ssyncset.done $0x0  }
0x6c: {  	s13 =	sadd.s32 s5, s10;
	s11 =	sadd.s32 s1, s10;
	[sflag:s19] =	ssyncadd.s32 $0xFFFFC000  }
0x6d: {  	[tilespmem:s21], [sflag:$0x4] =	stream.linear.gather [hbm4b:s13+s4], $0x80, $0x38;
	[tilespmem:$0x1C200] =	vst v63  }
.LBB2_3:
0x6e: {  	[tilespmem:s22], [sflag:$0x6] =	stream.linear.gather [hbm4b:s11+s4], $0x80, $0x38;
	[tilespmem:$0x1C200] =	vst v63  }
0x6f: {  	_ =	swait.ge [sflag:s24], $0x80  }
0x70: {  	[sflag:s24] =	ssyncset.done $0x0  }
0x71: {  	[sflag:s24] =	ssyncadd.s32 $0xFFFFFF80  }
0x72: {  	[tilespmem:s25], [sflag:$0x2] =	stream.indirect.gather [hbm4b:s6+s22], $0x80, s21, s22, $0xb8;
	[tilespmem:$0x1C200] =	vst v63  }
0x73: {  	_ =	swait.ge [sflag:s26], $0x4000  }
0x74: {  	s2 =	sadd.s32 $0x2, s2;
	[sflag:s26] =	ssyncset.done $0x0  }
0x75: {  	s8 =	sadd.s32 $0xFFFFFFFF, s2;
	[sflag:s26] =	ssyncadd.s32 $0xFFFFC000  }
0x76: {  	s10 =	smov.u32 s12;
	p0 =	slt.s32 s8, s12;
	_ =	swait.ge [sflag:s28], $0x80  }
0x77: {  	s10 =	smov.u32 @p0 s8;
	[sflag:s28] =	ssyncset.done $0x0  }
0x78: {  	s8 =	sadd.s32 s7, s10;
	[sflag:s28] =	ssyncadd.s32 $0xFFFFFF80  }
0x79: {  	[spmem:s3] =	stream.indirect.scatter.add.f32 [tilespmem:s23], [sflag:$0x7], $0x80, s4, s22, $0xb8;
	[tilespmem:$0x1C200] =	vst v63  }
0x7a: {  	s8 =	sshll.u32 s8, $0x4;
	_ =	swait.ge [sflag:s19], $0x4000  }
0x7b: {  	s8 =	sand.u32 $0x1FFFFFF0, s8;
	[sflag:s19] =	ssyncset.done $0x0  }
0x7c: {  	s11 =	sadd.s32 s5, s8;
	[sflag:s19] =	ssyncadd.s32 $0xFFFFC000  }
0x7d: {  	[tilespmem:s20], [sflag:$0x3] =	stream.linear.gather [hbm4b:s11+s4], $0x80, $0x38;
	[tilespmem:$0x1C200] =	vst v63  }
0x7e: {  	s8 =	sadd.s32 s1, s8  }
0x7f: {  	[tilespmem:s4], [sflag:$0x5] =	stream.linear.gather [hbm4b:s8+s4], $0x80, $0x38;
	[tilespmem:$0x1C200] =	vst v63  }
0x80: {  	_ =	swait.ge [sflag:s29], $0x80  }
0x81: {  	[sflag:s29] =	ssyncset.done $0x0  }
0x82: {  	[sflag:s29] =	ssyncadd.s32 $0xFFFFFF80  }
0x83: {  	[tilespmem:s23], [sflag:$0x1] =	stream.indirect.gather [hbm4b:s6+s22], $0x80, s20, s22, $0xb8;
	[tilespmem:$0x1C200] =	vst v63  }
0x84: {  	_ =	swait.ge [sflag:s30], $0x4000  }
0x85: {  	[sflag:s30] =	ssyncset.done $0x0  }
0x86: {  	[sflag:s30] =	ssyncadd.s32 $0xFFFFC000  }
0x87: {  	p0 =	slt.s32 s2, s12;
	s8 =	smov.u32 s12;
	_ =	swait.ge [sflag:s31], $0x80  }
0x88: {  	s8 =	smov.u32 @p0 s2;
	[sflag:s31] =	ssyncset.done $0x0  }
0x89: {  	s2 =	sadd.s32 s7, s8;
	[sflag:s31] =	ssyncadd.s32 $0xFFFFFF80  }
0x8a: {  	[spmem:s3] =	stream.indirect.scatter.add.f32 [tilespmem:s25], [sflag:$0x7], $0x80, s22, s22, $0xb8;
	[tilespmem:$0x1C200] =	vst v63  }
0x8b: {  	s2 =	sshll.u32 s2, $0x4;
	_ =	swait.ge [sflag:s19], $0x4000  }
0x8c: {  	s2 =	sand.u32 $0x1FFFFFF0, s2;
	[sflag:s19] =	ssyncset.done $0x0  }
0x8d: {  	s13 =	sadd.s32 s5, s2;
	[sflag:s19] =	ssyncadd.s32 $0xFFFFC000  }
0x8e: {  	[tilespmem:s21], [sflag:$0x4] =	stream.linear.gather [hbm4b:s13+s4], $0x80, $0x38;
	[tilespmem:$0x1C200] =	vst v63  }
0x8f: {  	s2 =	sadd.s32 s1, s2  }
0x90: {  	[tilespmem:s22], [sflag:$0x6] =	stream.linear.gather [hbm4b:s2+s4], $0x80, $0x38;
	[tilespmem:$0x1C200] =	vst v63  }
0x91: {  	_ =	swait.ge [sflag:s26], $0x4000  }
0x92: {  	[sflag:s26] =	ssyncset.done $0x0  }
0x93: {  	[sflag:s26] =	ssyncadd.s32 $0xFFFFC000  }
0x94: {  	_ =	swait.ge [sflag:s28], $0x80  }
0x95: {  	[sflag:s28] =	ssyncset.done $0x0  }
0x96: {  	[sflag:s28] =	ssyncadd.s32 $0xFFFFFF80  }
0x97: {  	[spmem:s3] =	stream.indirect.scatter.add.f32 [tilespmem:s23], [sflag:$0x7], $0x80, s4, s22, $0xb8;
	[tilespmem:$0x1C200] =	vst v63  }
0x98: {  	_ =	swait.ge [sflag:s19], $0x4000  }
0x99: {  	[sflag:s19] =	ssyncset.done $0x0  }
0x9a: {  	[sflag:s19] =	ssyncadd.s32 $0xFFFFC000  }
0x9b: {  	_ =	swait.ge [sflag:s24], $0x80  }
0x9c: {  	[sflag:s24] =	ssyncset.done $0x0  }
0x9d: {  	[sflag:s24] =	ssyncadd.s32 $0xFFFFFF80  }
0x9e: {  	_ =	swait.ge [sflag:s31], $0x80  }
0x9f: {  	s0 =	sadd.s32 $0x1, s0;
	[sflag:s31] =	ssyncset.done $0x0  }
0xa0: {  	p0 =	sne.s32 s0, s16;
	[sflag:s31] =	ssyncadd.s32 $0xFFFFFF80  }
.Ltmp2:
0xa1: {  	[bflag:$0x0] =	sbarrier.arrive $0xFFFF;
	(pc) =	sbr.rel @p0 .LBB2_1-.Ltmp2, $4  }
0xa2: {  	[hbm:s15], [sflag:s9] =	dma.local [spmem:s18], $0x2800  }
0xa3: {  	_ =	swait.ge [sflag:s19], $0x2800  }
0xa4: {  	[sflag:s19] =	ssyncset.done $0x0  }
0xa5: {  	[sflag:s19] =	ssyncadd.s32 $0xFFFFD800  }
0xa6: {  	_ =	sfence.sel $0x180000  }
0xa7: {  	[bflag:$0x0] =	sbarrier.arrive $0xFFFF  }
0xa8: {  	_ =	strace $0x90000047  }
0xa9: {  	s0 =	stileid.u32;
	[bflag:$0x2] =	sbarrier.arrive $0xFFFF  }
0xaa: {  	p0 =	sne.s32 s0, $0x0;
	s0 =	rddreg [dreg:$0x3]  }
0xab: {  	s0 =	sadd.s32 @!p0 $0x100000, s0  }
0xac: {  	[sflag:s0] =	ssyncadd.tile.s32 @!p0 $0x1;
	_ =	shalt  }
.Lfunc_end2:
_tile_overlayer_lowered:
.L_overlay_start_2:
0xad: {  	(tag) =	ssettag $0x2  }
0xae: {  	s0 =	rddreg [dreg:$0x0];
	s2 =	stileid.u32  }
0xaf: {  	s1 =	rddreg [dreg:$0x1];
	p0 =	sne.s32 s2, $0x0  }
0xb0: {  	s3 =	rddreg [dreg:$0x2];
	[bflag:$0x3] =	sbarrier.arrive $0xFFFF;
	s2 =	simm.s32 @!p0 $0x1C07  }
0xb1: {  	[timem:s3], [sflag:s2] =	dma.local @!p0 [hbm:s0], s1  }
0xb2: {  	s0 =	simm.s32 @!p0 $0x7  }
0xb3: {  	_ =	swait.ge @!p0 [sflag:s0], s1  }
0xb4: {  	s1 =	ssub.s32 @!p0 $0x0, s1;
	[sflag:s0] =	ssyncset.done @!p0 $0x0  }
0xb5: {  	[sflag:s0] =	ssyncadd.s32 @!p0 s1  }
0xb6: {  	[bflag:$0x3] =	sbarrier.arrive $0xFFFF  }
0xb7: {  	_ =	shalt  }

</sc_bundles>
